<compile_context>
chip_gen: v7x
topology: tpu7x:2x2x1
jax: 0.10.2.dev20260603
libtpu: 0.0.44.dev20260713+nightly
codegen_flags: <defaults>
</compile_context>

<pallas_src>
import functools

import jax
import jax.numpy as jnp
from jax import lax
from jax.experimental import pallas as pl
from jax.experimental.pallas import tpu as pltpu
from jax.experimental.pallas import tpu_sc as plsc

D = 768
H = 256
O = 768
N = 8192
K = 32

ROWS_PER_BLK = 2048
NBLK = N // ROWS_PER_BLK

LANES = 16
CHUNK = 512
NSLICE = CHUNK // LANES
NSUB = 16
NEG = float("-inf")
BIG = 1 << 30
INV_SQRT_H = 1.0 / (H ** 0.5)



def _logits_body(ce, wq, bq, wk, e, out, vm, vz, w_s):
    i = pl.program_id(0)

    @pl.when(i == 0)
    def _():
        ce2 = ce[...].reshape(1, D)
        bq2 = bq[...].reshape(1, H)
        q = jnp.dot(ce2, wq[...], preferred_element_type=jnp.float32,
                    precision=lax.Precision.HIGHEST) + bq2
        w = lax.dot_general(q, wk[...], (((1,), (1,)), ((), ())),
                            preferred_element_type=jnp.float32,
                            precision=lax.Precision.HIGHEST)
        w_s[...] = w * INV_SQRT_H

    lb = lax.dot_general(w_s[...], e[...], (((1,), (1,)), ((), ())),
                         preferred_element_type=jnp.float32)
    out[...] = lb.reshape(ROWS_PER_BLK)

    @pl.when(i == 0)
    def _():
        vm[...] = lb
        vz[...] = jnp.ones((1, ROWS_PER_BLK), jnp.float32)

    @pl.when(i > 0)
    def _():
        mnew = jnp.maximum(vm[...], lb)
        vz[...] = vz[...] * jnp.exp(vm[...] - mnew) + jnp.exp(lb - mnew)
        vm[...] = mnew


def _logits_call(ce, Wq, bq, Wk, E):
    return pl.pallas_call(
        _logits_body,
        grid=(NBLK,),
        in_specs=[
            pl.BlockSpec((D,), lambda i: (0,)),
            pl.BlockSpec((D, H), lambda i: (0, 0)),
            pl.BlockSpec((H,), lambda i: (0,)),
            pl.BlockSpec((D, H), lambda i: (0, 0)),
            pl.BlockSpec((ROWS_PER_BLK, D), lambda i: (i, 0)),
        ],
        out_specs=[
            pl.BlockSpec((ROWS_PER_BLK,), lambda i: (i,)),
            pl.BlockSpec((1, ROWS_PER_BLK), lambda i: (0, 0)),
            pl.BlockSpec((1, ROWS_PER_BLK), lambda i: (0, 0)),
        ],
        out_shape=[
            jax.ShapeDtypeStruct((N,), jnp.float32),
            jax.ShapeDtypeStruct((1, ROWS_PER_BLK), jnp.float32),
            jax.ShapeDtypeStruct((1, ROWS_PER_BLK), jnp.float32),
        ],
        scratch_shapes=[pltpu.VMEM((1, D), jnp.float32)],
    )(ce, Wq, bq, Wk, E)



def _bmax(x, lane):
    for st in (1, 2, 4, 8):
        x = jnp.maximum(x, jnp.take_along_axis(x, lane ^ st, axis=0))
    return x


def _bmin(x, lane):
    for st in (1, 2, 4, 8):
        x = jnp.minimum(x, jnp.take_along_axis(x, lane ^ st, axis=0))
    return x


def _topk_body(lg_hbm, e_hbm, sel_out, val_out,
               lg_v, sv_sh, si_sh, cv_v, ci_v, lv_v, li_v, idx_v, val_v,
               idx1_v, row1_v, sem):
    c = lax.axis_index("c")
    s = lax.axis_index("s")
    lane = lax.iota(jnp.int32, 16)
    base = s * CHUNK

    pltpu.sync_copy(lg_hbm.at[pl.ds(base, CHUNK)], lg_v)

    def cm_body(k, mv):
        return jnp.maximum(mv, plsc.load_gather(lg_v, [k * 16 + lane]))
    mv = lax.fori_loop(0, NSLICE, cm_body,
                       jnp.full((16,), NEG, jnp.float32), unroll=4)

    def extract_one(j, mv):
        m = _bmax(mv, lane)
        ls = _bmin(jnp.where(mv == m, lane, BIG), lane)
        c0 = plsc.load_gather(lg_v, [lane * 16 + ls])
        c1 = plsc.load_gather(lg_v, [(lane + 16) * 16 + ls])
        r0 = jnp.where(c0 == m, lane, BIG)
        r1 = jnp.where(c1 == m, lane + 16, BIG)
        rs = _bmin(jnp.minimum(r0, r1), lane)
        gidx = rs * 16 + ls
        lane0 = lane == 0
        jv = jnp.full((16,), j, jnp.int32)
        plsc.store_scatter(lv_v, [jv], m, mask=lane0)
        plsc.store_scatter(li_v, [jv], gidx + base, mask=lane0)
        plsc.store_scatter(lg_v, [gidx],
                          jnp.full((16,), NEG, jnp.float32), mask=lane0)
        c0 = jnp.where(lane == rs, NEG, c0)
        c1 = jnp.where(lane + 16 == rs, NEG, c1)
        m2 = _bmax(jnp.maximum(c0, c1), lane)
        return jnp.where(lane == ls, m2, mv)

    lax.fori_loop(0, K, extract_one, mv)

    pltpu.sync_copy(lv_v, sv_sh.at[pl.ds(s * K, K)])
    pltpu.sync_copy(li_v, si_sh.at[pl.ds(s * K, K)])
    plsc.subcore_barrier()

    if True:
        pltpu.sync_copy(sv_sh, cv_v)
        pltpu.sync_copy(si_sh, ci_v)

        def merge_body(j, carry):
            ptr, resv0, resv1, resi0, resi1 = carry
            pc = lane * K + jnp.minimum(ptr, K - 1)
            hv = plsc.load_gather(cv_v, [pc])
            hi = plsc.load_gather(ci_v, [pc])
            hv = jnp.where(ptr > K - 1, NEG, hv)
            m = _bmax(hv, lane)
            cand = jnp.where(hv == m, hi, BIG)
            gi = _bmin(cand, lane)
            pick = jnp.logical_and(cand == gi, hv == m)
            ptr = ptr + jnp.where(pick, 1, 0)
            jm = lax.rem(j, 16)
            in0 = j < 16
            at = lane == jm
            resv0 = jnp.where(jnp.logical_and(in0, at), m, resv0)
            resi0 = jnp.where(jnp.logical_and(in0, at), gi, resi0)
            resv1 = jnp.where(jnp.logical_and(jnp.logical_not(in0), at), m, resv1)
            resi1 = jnp.where(jnp.logical_and(jnp.logical_not(in0), at), gi, resi1)
            return ptr, resv0, resv1, resi0, resi1

        init = (jnp.zeros((16,), jnp.int32),
                jnp.full((16,), NEG, jnp.float32),
                jnp.full((16,), NEG, jnp.float32),
                jnp.zeros((16,), jnp.int32),
                jnp.zeros((16,), jnp.int32))
        _, resv0, resv1, resi0, resi1 = lax.fori_loop(0, K, merge_body, init)

        is0 = c == 0
        myv = jnp.where(is0, resv0, resv1)
        myi = jnp.where(is0, resi0, resi1)

        @pl.when(s == 0)
        def _():
            val_v[...] = myv
            pltpu.sync_copy(val_v, val_out.at[pl.ds(c * 16, 16)])

        mine = jnp.take_along_axis(myi, jnp.full((16,), s, jnp.int32), axis=0)
        plsc.store_scatter(idx1_v, [jnp.zeros((16,), jnp.int32)], mine,
                           mask=lane == 0)
        pltpu.async_copy(e_hbm.at[idx1_v], row1_v, sem).wait()
        pltpu.sync_copy(row1_v, sel_out.at[pl.ds(c * 16 + s, 1)])


_topk_gather = functools.partial(
    pl.kernel,
    out_type=(jax.ShapeDtypeStruct((K, D), jnp.float32),
              jax.ShapeDtypeStruct((K,), jnp.float32)),
    mesh=plsc.VectorSubcoreMesh(core_axis_name="c", subcore_axis_name="s"),
    compiler_params=pltpu.CompilerParams(needs_layout_passes=False),
    scratch_types=[
        pltpu.VMEM((CHUNK,), jnp.float32),
        pltpu.VMEM_SHARED((NSUB * K,), jnp.float32),
        pltpu.VMEM_SHARED((NSUB * K,), jnp.int32),
        pltpu.VMEM((NSUB * K,), jnp.float32),
        pltpu.VMEM((NSUB * K,), jnp.int32),
        pltpu.VMEM((K,), jnp.float32),
        pltpu.VMEM((K,), jnp.int32),
        pltpu.VMEM((16,), jnp.int32),
        pltpu.VMEM((16,), jnp.float32),
        pltpu.VMEM((1,), jnp.int32),
        pltpu.VMEM((1, D), jnp.float32),
        pltpu.SemaphoreType.DMA,
    ],
)(_topk_body)



def _finish_body(vm, vz, topv, sel, wv, bv, wo, bo, out):
    m = jnp.max(vm[...])
    z = jnp.sum(vz[...] * jnp.exp(vm[...] - m))
    s = jnp.exp(topv[...].reshape(1, K) - m) / z
    ssum = jnp.sum(s)
    ws = jnp.dot(s, sel[...], preferred_element_type=jnp.float32)
    h = (jnp.dot(ws, wv[...], preferred_element_type=jnp.float32)
         + ssum * bv[...].reshape(1, H))
    o = jnp.dot(h, wo[...], preferred_element_type=jnp.float32)
    out[...] = (o + bo[...].reshape(1, O)).reshape(O)


def _finish_call(vm, vz, topv, sel, Wv, bv, Wo, bo):
    return pl.pallas_call(
        _finish_body,
        out_shape=jax.ShapeDtypeStruct((O,), jnp.float32),
    )(vm, vz, topv, sel, Wv, bv, Wo, bo)


def kernel(class_embedding, entity_embeddings, Wq, bq, Wk, bk, Wv, bv, Wo, bo):
    del bk
    lg, vm, vz = _logits_call(class_embedding, Wq, bq, Wk, entity_embeddings)
    sel, topv = _topk_gather(lg, entity_embeddings)
    return _finish_call(vm, vz, topv, sel, Wv, bv, Wo, bo)

# --- scband reference (transcript-rebuilt; emitter-appended) ---
"""Pipeline reference for scband-evgnetwork-18159121728072 (READ-ONLY COPY).

The authoritative reference and input builder live on the scoring server;
editing this copy changes nothing except your own understanding.
"""

import jax, jax.numpy as jnp
import numpy as np

D = 768      # input_dim
H = 256      # hidden_dim
O = 768      # output_dim
N = 8192     # num entities
TOP_K = 32


def setup_inputs(seed: int = 0) -> dict:
    key = jax.random.key(seed)
    ks = jax.random.split(key, 10)
    def lin(k, fan_in, fan_out):
        kw, kb = jax.random.split(k)
        bound = 1.0 / np.sqrt(fan_in)
        W = jax.random.uniform(kw, (fan_in, fan_out), jnp.float32, -bound, bound)
        b = jax.random.uniform(kb, (fan_out,), jnp.float32, -bound, bound)
        return W, b
    Wq, bq = lin(ks[0], D, H)
    Wk, bk = lin(ks[1], D, H)
    Wv, bv = lin(ks[2], D, H)
    Wo, bo = lin(ks[3], H, O)
    class_embedding = jax.random.normal(ks[4], (D,), jnp.float32)
    entity_embeddings = jax.random.normal(ks[5], (N, D), jnp.float32)
    return {
        'class_embedding': class_embedding,
        'entity_embeddings': entity_embeddings,
        'Wq': Wq, 'bq': bq,
        'Wk': Wk, 'bk': bk,
        'Wv': Wv, 'bv': bv,
        'Wo': Wo, 'bo': bo,
    }


def reference(class_embedding, entity_embeddings, Wq, bq, Wk, bk, Wv, bv, Wo, bo):
    hidden_dim = H
    Q = (class_embedding @ Wq + bq)[None, :]          # (1, H)
    K = entity_embeddings @ Wk + bk                   # (N, H)
    V = entity_embeddings @ Wv + bv                   # (N, H)
    attn_logits = (Q @ K.T) / (hidden_dim ** 0.5)     # (1, N)
    attn_scores = jax.nn.softmax(attn_logits, axis=-1)
    k = min(TOP_K, attn_scores.shape[-1])
    topk_scores, topk_indices = jax.lax.top_k(attn_scores, k)  # (1, k)
    topk_indices = topk_indices[0]                    # (k,)
    topk_scores = topk_scores[0]                      # (k,)
    topk_values = V[topk_indices]                     # (k, H) gather
    weighted_sum = jnp.sum(topk_values * topk_scores[:, None], axis=0)  # (H,)
    final_vector = weighted_sum @ Wo + bo             # (O,)
    return final_vector

if __name__ == "__main__":
    import jax
    _d = setup_inputs()
    print(jax.jit(kernel)(*tuple(_d.values())))

</pallas_src>

<mosaic_0001>
#map = affine_map<(d0, d1) -> (0)>
#map1 = affine_map<(d0, d1) -> (0, 0)>
module attributes {stable_mosaic.version = 14 : i64} {
  func.func @_topk_body(%arg0: i32, %arg1: i32, %arg2: memref<8192xf32, #tpu.memory_space<hbm>>, %arg3: memref<8192x768xf32, #tpu.memory_space<hbm>>, %arg4: memref<32x768xf32, #tpu.memory_space<hbm>>, %arg5: memref<32xf32, #tpu.memory_space<hbm>>, %arg6: memref<512xf32, #tpu.memory_space<vmem>>, %arg7: memref<512xf32, #tpu.memory_space<vmem_shared>>, %arg8: memref<512xi32, #tpu.memory_space<vmem_shared>>, %arg9: memref<512xf32, #tpu.memory_space<vmem>>, %arg10: memref<512xi32, #tpu.memory_space<vmem>>, %arg11: memref<32xf32, #tpu.memory_space<vmem>>, %arg12: memref<32xi32, #tpu.memory_space<vmem>>, %arg13: memref<16xi32, #tpu.memory_space<vmem>>, %arg14: memref<16xf32, #tpu.memory_space<vmem>>, %arg15: memref<1xi32, #tpu.memory_space<vmem>>, %arg16: memref<1x768xf32, #tpu.memory_space<vmem>>, %arg17: memref<!tpu.dma_semaphore, #tpu.memory_space<semaphore_mem>>) attributes {dimension_semantics = [#tpu.dimension_semantics<core_parallel>, #tpu.dimension_semantics<subcore_parallel>], iteration_bounds = array<i64: 2, 16>, scalar_prefetch = 0 : i64, scratch_operands = 12 : i64, tpu.core_type = #tpu.core_type<sc_vector_subcore>, window_params = [{transform_indices = #map}, {transform_indices = #map1}, {transform_indices = #map1}, {transform_indices = #map}]} {
    %iota3A = tpu.iota {dimensions = array<i32: 0>} : vector<16xi32>
    %mul3A = arith.constant 512 : i32
    %mul3A_0 = arith.muli %arg1, %mul3A : i32
    "tpu.region"() ({
      %run_scoped3A = tpu.sem_alloc : memref<!tpu.dma_semaphore, #tpu.memory_space<semaphore_mem>>
      %dma_start3A_57 = tpu.memref_slice %arg2[%mul3A_0] : memref<8192xf32, #tpu.memory_space<hbm>> -> memref<512xf32, #tpu.memory_space<hbm>>
      %dma_start3A_58 = tpu.memref_slice %arg2[%mul3A_0] : memref<8192xf32, #tpu.memory_space<hbm>> -> memref<512xf32, #tpu.memory_space<hbm>>
      tpu.enqueue_dma source(%dma_start3A_58 : memref<512xf32, #tpu.memory_space<hbm>>) target(%arg6 : memref<512xf32, #tpu.memory_space<vmem>>) target_semaphore(%run_scoped3A : memref<!tpu.dma_semaphore, #tpu.memory_space<semaphore_mem>>)
      %dma_wait3A_59 = tpu.memref_slice %arg2[%mul3A_0] : memref<8192xf32, #tpu.memory_space<hbm>> -> memref<512xf32, #tpu.memory_space<hbm>>
      %dma_wait3A_60 = tpu.memref_slice %arg2[%mul3A_0] : memref<8192xf32, #tpu.memory_space<hbm>> -> memref<512xf32, #tpu.memory_space<hbm>>
      tpu.wait_dma2 semaphore(%run_scoped3A : memref<!tpu.dma_semaphore, #tpu.memory_space<semaphore_mem>>) src(%dma_wait3A_60 : memref<512xf32, #tpu.memory_space<hbm>>) dst(%arg6 : memref<512xf32, #tpu.memory_space<vmem>>)
      tpu.yield
    }) : () -> ()
    %broadcast_in_dim3A = arith.constant 0xFF800000 : f32
    %broadcast_in_dim3A_1 = vector.broadcast %broadcast_in_dim3A : f32 to vector<16xf32>
    %scan3A = arith.constant 0 : i32
    %scan3A_2 = arith.constant 32 : i32
    %scan3A_3 = arith.addi %scan3A, %scan3A_2 : i32
    %scan3A_4 = arith.constant 4 : i32
    %scan3A_5 = scf.for %scan3A_57 = %scan3A to %scan3A_3 step %scan3A_4 iter_args(%scan3A_58 = %broadcast_in_dim3A_1) -> (vector<16xf32>)  : i32 {
      %mul3A_59 = arith.constant 16 : i32
      %mul3A_60 = arith.muli %scan3A_57, %mul3A_59 : i32
      %add3A_61 = vector.broadcast %mul3A_60 : i32 to vector<16xi32>
      %add3A_62 = arith.addi %add3A_61, %iota3A : vector<16xi32>
      %gather3A_63 = tpu.vector_load_idx %arg6[%add3A_62] : memref<512xf32, #tpu.memory_space<vmem>>[vector<16xi32>], vector<16xf32>,
      %max3A = arith.maximumf %scan3A_58, %gather3A_63 : vector<16xf32>
      %scan3A_64 = arith.constant 1 : i32
      %scan3A_65 = arith.addi %scan3A_57, %scan3A_64 : i32
      %mul3A_66 = arith.constant 16 : i32
      %mul3A_67 = arith.muli %scan3A_65, %mul3A_66 : i32
      %add3A_68 = vector.broadcast %mul3A_67 : i32 to vector<16xi32>
      %add3A_69 = arith.addi %add3A_68, %iota3A : vector<16xi32>
      %gather3A_70 = tpu.vector_load_idx %arg6[%add3A_69] : memref<512xf32, #tpu.memory_space<vmem>>[vector<16xi32>], vector<16xf32>,
      %max3A_71 = arith.maximumf %max3A, %gather3A_70 : vector<16xf32>
      %scan3A_72 = arith.constant 2 : i32
      %scan3A_73 = arith.addi %scan3A_57, %scan3A_72 : i32
      %mul3A_74 = arith.constant 16 : i32
      %mul3A_75 = arith.muli %scan3A_73, %mul3A_74 : i32
      %add3A_76 = vector.broadcast %mul3A_75 : i32 to vector<16xi32>
      %add3A_77 = arith.addi %add3A_76, %iota3A : vector<16xi32>
      %gather3A_78 = tpu.vector_load_idx %arg6[%add3A_77] : memref<512xf32, #tpu.memory_space<vmem>>[vector<16xi32>], vector<16xf32>,
      %max3A_79 = arith.maximumf %max3A_71, %gather3A_78 : vector<16xf32>
      %scan3A_80 = arith.constant 3 : i32
      %scan3A_81 = arith.addi %scan3A_57, %scan3A_80 : i32
      %mul3A_82 = arith.constant 16 : i32
      %mul3A_83 = arith.muli %scan3A_81, %mul3A_82 : i32
      %add3A_84 = vector.broadcast %mul3A_83 : i32 to vector<16xi32>
      %add3A_85 = arith.addi %add3A_84, %iota3A : vector<16xi32>
      %gather3A_86 = tpu.vector_load_idx %arg6[%add3A_85] : memref<512xf32, #tpu.memory_space<vmem>>[vector<16xi32>], vector<16xf32>,
      %max3A_87 = arith.maximumf %max3A_79, %gather3A_86 : vector<16xf32>
      scf.yield %max3A_87 : vector<16xf32>
    }
    %scan3A_6 = arith.constant 32 : i32
    %scan3A_7 = arith.constant 0 : i32
    %scan3A_8 = arith.constant 32 : i32
    %scan3A_9 = arith.addi %scan3A_7, %scan3A_8 : i32
    %scan3A_10 = arith.constant 1 : i32
    %scan3A_11 = scf.for %scan3A_57 = %scan3A_7 to %scan3A_9 step %scan3A_10 iter_args(%scan3A_58 = %scan3A_5) -> (vector<16xf32>)  : i32 {
      %xor3A = arith.constant 1 : i32
      %xor3A_59 = vector.broadcast %xor3A : i32 to vector<16xi32>
      %xor3A_60 = arith.xori %iota3A, %xor3A_59 : vector<16xi32>
      %lt3A_61 = arith.constant 0 : i32
      %lt3A_62 = vector.broadcast %lt3A_61 : i32 to vector<16xi32>
      %lt3A_63 = arith.cmpi slt, %xor3A_60, %lt3A_62 : vector<16xi32>
      %add3A_64 = arith.constant 16 : i32
      %add3A_65 = vector.broadcast %add3A_64 : i32 to vector<16xi32>
      %add3A_66 = arith.addi %xor3A_60, %add3A_65 : vector<16xi32>
      %select_n3A_67 = arith.select %lt3A_63, %add3A_66, %xor3A_60 : vector<16xi1>, vector<16xi32>
      %reshape3A_68 = vector.shape_cast %select_n3A_67 : vector<16xi32> to vector<16x1xi32>
      %gather3A_69 = vector.shape_cast %reshape3A_68 : vector<16x1xi32> to vector<16xi32>
      %gather3A_70 = tpu.dynamic_gather %scan3A_58[%gather3A_69] in [0] : vector<16xf32>, vector<16xi32> -> vector<16xf32>
      %max3A = arith.maximumf %scan3A_58, %gather3A_70 : vector<16xf32>
      %xor3A_71 = arith.constant 2 : i32
      %xor3A_72 = vector.broadcast %xor3A_71 : i32 to vector<16xi32>
      %xor3A_73 = arith.xori %iota3A, %xor3A_72 : vector<16xi32>
      %lt3A_74 = arith.constant 0 : i32
      %lt3A_75 = vector.broadcast %lt3A_74 : i32 to vector<16xi32>
      %lt3A_76 = arith.cmpi slt, %xor3A_73, %lt3A_75 : vector<16xi32>
      %add3A_77 = arith.constant 16 : i32
      %add3A_78 = vector.broadcast %add3A_77 : i32 to vector<16xi32>
      %add3A_79 = arith.addi %xor3A_73, %add3A_78 : vector<16xi32>
      %select_n3A_80 = arith.select %lt3A_76, %add3A_79, %xor3A_73 : vector<16xi1>, vector<16xi32>
      %reshape3A_81 = vector.shape_cast %select_n3A_80 : vector<16xi32> to vector<16x1xi32>
      %gather3A_82 = vector.shape_cast %reshape3A_81 : vector<16x1xi32> to vector<16xi32>
      %gather3A_83 = tpu.dynamic_gather %max3A[%gather3A_82] in [0] : vector<16xf32>, vector<16xi32> -> vector<16xf32>
      %max3A_84 = arith.maximumf %max3A, %gather3A_83 : vector<16xf32>
      %xor3A_85 = arith.constant 4 : i32
      %xor3A_86 = vector.broadcast %xor3A_85 : i32 to vector<16xi32>
      %xor3A_87 = arith.xori %iota3A, %xor3A_86 : vector<16xi32>
      %lt3A_88 = arith.constant 0 : i32
      %lt3A_89 = vector.broadcast %lt3A_88 : i32 to vector<16xi32>
      %lt3A_90 = arith.cmpi slt, %xor3A_87, %lt3A_89 : vector<16xi32>
      %add3A_91 = arith.constant 16 : i32
      %add3A_92 = vector.broadcast %add3A_91 : i32 to vector<16xi32>
      %add3A_93 = arith.addi %xor3A_87, %add3A_92 : vector<16xi32>
      %select_n3A_94 = arith.select %lt3A_90, %add3A_93, %xor3A_87 : vector<16xi1>, vector<16xi32>
      %reshape3A_95 = vector.shape_cast %select_n3A_94 : vector<16xi32> to vector<16x1xi32>
      %gather3A_96 = vector.shape_cast %reshape3A_95 : vector<16x1xi32> to vector<16xi32>
      %gather3A_97 = tpu.dynamic_gather %max3A_84[%gather3A_96] in [0] : vector<16xf32>, vector<16xi32> -> vector<16xf32>
      %max3A_98 = arith.maximumf %max3A_84, %gather3A_97 : vector<16xf32>
      %xor3A_99 = arith.constant 8 : i32
      %xor3A_100 = vector.broadcast %xor3A_99 : i32 to vector<16xi32>
      %xor3A_101 = arith.xori %iota3A, %xor3A_100 : vector<16xi32>
      %lt3A_102 = arith.constant 0 : i32
      %lt3A_103 = vector.broadcast %lt3A_102 : i32 to vector<16xi32>
      %lt3A_104 = arith.cmpi slt, %xor3A_101, %lt3A_103 : vector<16xi32>
      %add3A_105 = arith.constant 16 : i32
      %add3A_106 = vector.broadcast %add3A_105 : i32 to vector<16xi32>
      %add3A_107 = arith.addi %xor3A_101, %add3A_106 : vector<16xi32>
      %select_n3A_108 = arith.select %lt3A_104, %add3A_107, %xor3A_101 : vector<16xi1>, vector<16xi32>
      %reshape3A_109 = vector.shape_cast %select_n3A_108 : vector<16xi32> to vector<16x1xi32>
      %gather3A_110 = vector.shape_cast %reshape3A_109 : vector<16x1xi32> to vector<16xi32>
      %gather3A_111 = tpu.dynamic_gather %max3A_98[%gather3A_110] in [0] : vector<16xf32>, vector<16xi32> -> vector<16xf32>
      %max3A_112 = arith.maximumf %max3A_98, %gather3A_111 : vector<16xf32>
      %eq3A_113 = arith.cmpf oeq, %scan3A_58, %max3A_112 : vector<16xf32>
      %jit3A = arith.constant 1073741824 : i32
      %broadcast_in_dim3A_114 = vector.broadcast %jit3A : i32 to vector<16xi32>
      %select_n3A_115 = arith.select %eq3A_113, %iota3A, %broadcast_in_dim3A_114 : vector<16xi1>, vector<16xi32>
      %xor3A_116 = arith.constant 1 : i32
      %xor3A_117 = vector.broadcast %xor3A_116 : i32 to vector<16xi32>
      %xor3A_118 = arith.xori %iota3A, %xor3A_117 : vector<16xi32>
      %lt3A_119 = arith.constant 0 : i32
      %lt3A_120 = vector.broadcast %lt3A_119 : i32 to vector<16xi32>
      %lt3A_121 = arith.cmpi slt, %xor3A_118, %lt3A_120 : vector<16xi32>
      %add3A_122 = arith.constant 16 : i32
      %add3A_123 = vector.broadcast %add3A_122 : i32 to vector<16xi32>
      %add3A_124 = arith.addi %xor3A_118, %add3A_123 : vector<16xi32>
      %select_n3A_125 = arith.select %lt3A_121, %add3A_124, %xor3A_118 : vector<16xi1>, vector<16xi32>
      %reshape3A_126 = vector.shape_cast %select_n3A_125 : vector<16xi32> to vector<16x1xi32>
      %gather3A_127 = vector.shape_cast %reshape3A_126 : vector<16x1xi32> to vector<16xi32>
      %gather3A_128 = tpu.dynamic_gather %select_n3A_115[%gather3A_127] in [0] : vector<16xi32>, vector<16xi32> -> vector<16xi32>
      %min3A = arith.minsi %select_n3A_115, %gather3A_128 : vector<16xi32>
      %xor3A_129 = arith.constant 2 : i32
      %xor3A_130 = vector.broadcast %xor3A_129 : i32 to vector<16xi32>
      %xor3A_131 = arith.xori %iota3A, %xor3A_130 : vector<16xi32>
      %lt3A_132 = arith.constant 0 : i32
      %lt3A_133 = vector.broadcast %lt3A_132 : i32 to vector<16xi32>
      %lt3A_134 = arith.cmpi slt, %xor3A_131, %lt3A_133 : vector<16xi32>
      %add3A_135 = arith.constant 16 : i32
      %add3A_136 = vector.broadcast %add3A_135 : i32 to vector<16xi32>
      %add3A_137 = arith.addi %xor3A_131, %add3A_136 : vector<16xi32>
      %select_n3A_138 = arith.select %lt3A_134, %add3A_137, %xor3A_131 : vector<16xi1>, vector<16xi32>
      %reshape3A_139 = vector.shape_cast %select_n3A_138 : vector<16xi32> to vector<16x1xi32>
      %gather3A_140 = vector.shape_cast %reshape3A_139 : vector<16x1xi32> to vector<16xi32>
      %gather3A_141 = tpu.dynamic_gather %min3A[%gather3A_140] in [0] : vector<16xi32>, vector<16xi32> -> vector<16xi32>
      %min3A_142 = arith.minsi %min3A, %gather3A_141 : vector<16xi32>
      %xor3A_143 = arith.constant 4 : i32
      %xor3A_144 = vector.broadcast %xor3A_143 : i32 to vector<16xi32>
      %xor3A_145 = arith.xori %iota3A, %xor3A_144 : vector<16xi32>
      %lt3A_146 = arith.constant 0 : i32
      %lt3A_147 = vector.broadcast %lt3A_146 : i32 to vector<16xi32>
      %lt3A_148 = arith.cmpi slt, %xor3A_145, %lt3A_147 : vector<16xi32>
      %add3A_149 = arith.constant 16 : i32
      %add3A_150 = vector.broadcast %add3A_149 : i32 to vector<16xi32>
      %add3A_151 = arith.addi %xor3A_145, %add3A_150 : vector<16xi32>
      %select_n3A_152 = arith.select %lt3A_148, %add3A_151, %xor3A_145 : vector<16xi1>, vector<16xi32>
      %reshape3A_153 = vector.shape_cast %select_n3A_152 : vector<16xi32> to vector<16x1xi32>
      %gather3A_154 = vector.shape_cast %reshape3A_153 : vector<16x1xi32> to vector<16xi32>
      %gather3A_155 = tpu.dynamic_gather %min3A_142[%gather3A_154] in [0] : vector<16xi32>, vector<16xi32> -> vector<16xi32>
      %min3A_156 = arith.minsi %min3A_142, %gather3A_155 : vector<16xi32>
      %xor3A_157 = arith.constant 8 : i32
      %xor3A_158 = vector.broadcast %xor3A_157 : i32 to vector<16xi32>
      %xor3A_159 = arith.xori %iota3A, %xor3A_158 : vector<16xi32>
      %lt3A_160 = arith.constant 0 : i32
      %lt3A_161 = vector.broadcast %lt3A_160 : i32 to vector<16xi32>
      %lt3A_162 = arith.cmpi slt, %xor3A_159, %lt3A_161 : vector<16xi32>
      %add3A_163 = arith.constant 16 : i32
      %add3A_164 = vector.broadcast %add3A_163 : i32 to vector<16xi32>
      %add3A_165 = arith.addi %xor3A_159, %add3A_164 : vector<16xi32>
      %select_n3A_166 = arith.select %lt3A_162, %add3A_165, %xor3A_159 : vector<16xi1>, vector<16xi32>
      %reshape3A_167 = vector.shape_cast %select_n3A_166 : vector<16xi32> to vector<16x1xi32>
      %gather3A_168 = vector.shape_cast %reshape3A_167 : vector<16x1xi32> to vector<16xi32>
      %gather3A_169 = tpu.dynamic_gather %min3A_156[%gather3A_168] in [0] : vector<16xi32>, vector<16xi32> -> vector<16xi32>
      %min3A_170 = arith.minsi %min3A_156, %gather3A_169 : vector<16xi32>
      %mul3A_171 = arith.constant 16 : i32
      %mul3A_172 = vector.broadcast %mul3A_171 : i32 to vector<16xi32>
      %mul3A_173 = arith.muli %iota3A, %mul3A_172 : vector<16xi32>
      %add3A_174 = arith.addi %mul3A_173, %min3A_170 : vector<16xi32>
      %gather3A_175 = tpu.vector_load_idx %arg6[%add3A_174] : memref<512xf32, #tpu.memory_space<vmem>>[vector<16xi32>], vector<16xf32>,
      %add3A_176 = arith.constant 16 : i32
      %add3A_177 = vector.broadcast %add3A_176 : i32 to vector<16xi32>
      %add3A_178 = arith.addi %iota3A, %add3A_177 : vector<16xi32>
      %mul3A_179 = arith.constant 16 : i32
      %mul3A_180 = vector.broadcast %mul3A_179 : i32 to vector<16xi32>
      %mul3A_181 = arith.muli %add3A_178, %mul3A_180 : vector<16xi32>
      %add3A_182 = arith.addi %mul3A_181, %min3A_170 : vector<16xi32>
      %gather3A_183 = tpu.vector_load_idx %arg6[%add3A_182] : memref<512xf32, #tpu.memory_space<vmem>>[vector<16xi32>], vector<16xf32>,
      %eq3A_184 = arith.cmpf oeq, %gather3A_175, %max3A_112 : vector<16xf32>
      %jit3A_185 = arith.constant 1073741824 : i32
      %broadcast_in_dim3A_186 = vector.broadcast %jit3A_185 : i32 to vector<16xi32>
      %select_n3A_187 = arith.select %eq3A_184, %iota3A, %broadcast_in_dim3A_186 : vector<16xi1>, vector<16xi32>
      %eq3A_188 = arith.cmpf oeq, %gather3A_183, %max3A_112 : vector<16xf32>
      %add3A_189 = arith.constant 16 : i32
      %add3A_190 = vector.broadcast %add3A_189 : i32 to vector<16xi32>
      %add3A_191 = arith.addi %iota3A, %add3A_190 : vector<16xi32>
      %jit3A_192 = arith.constant 1073741824 : i32
      %broadcast_in_dim3A_193 = vector.broadcast %jit3A_192 : i32 to vector<16xi32>
      %select_n3A_194 = arith.select %eq3A_188, %add3A_191, %broadcast_in_dim3A_193 : vector<16xi1>, vector<16xi32>
      %min3A_195 = arith.minsi %select_n3A_187, %select_n3A_194 : vector<16xi32>
      %xor3A_196 = arith.constant 1 : i32
      %xor3A_197 = vector.broadcast %xor3A_196 : i32 to vector<16xi32>
      %xor3A_198 = arith.xori %iota3A, %xor3A_197 : vector<16xi32>
      %lt3A_199 = arith.constant 0 : i32
      %lt3A_200 = vector.broadcast %lt3A_199 : i32 to vector<16xi32>
      %lt3A_201 = arith.cmpi slt, %xor3A_198, %lt3A_200 : vector<16xi32>
      %add3A_202 = arith.constant 16 : i32
      %add3A_203 = vector.broadcast %add3A_202 : i32 to vector<16xi32>
      %add3A_204 = arith.addi %xor3A_198, %add3A_203 : vector<16xi32>
      %select_n3A_205 = arith.select %lt3A_201, %add3A_204, %xor3A_198 : vector<16xi1>, vector<16xi32>
      %reshape3A_206 = vector.shape_cast %select_n3A_205 : vector<16xi32> to vector<16x1xi32>
      %gather3A_207 = vector.shape_cast %reshape3A_206 : vector<16x1xi32> to vector<16xi32>
      %gather3A_208 = tpu.dynamic_gather %min3A_195[%gather3A_207] in [0] : vector<16xi32>, vector<16xi32> -> vector<16xi32>
      %min3A_209 = arith.minsi %min3A_195, %gather3A_208 : vector<16xi32>
      %xor3A_210 = arith.constant 2 : i32
      %xor3A_211 = vector.broadcast %xor3A_210 : i32 to vector<16xi32>
      %xor3A_212 = arith.xori %iota3A, %xor3A_211 : vector<16xi32>
      %lt3A_213 = arith.constant 0 : i32
      %lt3A_214 = vector.broadcast %lt3A_213 : i32 to vector<16xi32>
      %lt3A_215 = arith.cmpi slt, %xor3A_212, %lt3A_214 : vector<16xi32>
      %add3A_216 = arith.constant 16 : i32
      %add3A_217 = vector.broadcast %add3A_216 : i32 to vector<16xi32>
      %add3A_218 = arith.addi %xor3A_212, %add3A_217 : vector<16xi32>
      %select_n3A_219 = arith.select %lt3A_215, %add3A_218, %xor3A_212 : vector<16xi1>, vector<16xi32>
      %reshape3A_220 = vector.shape_cast %select_n3A_219 : vector<16xi32> to vector<16x1xi32>
      %gather3A_221 = vector.shape_cast %reshape3A_220 : vector<16x1xi32> to vector<16xi32>
      %gather3A_222 = tpu.dynamic_gather %min3A_209[%gather3A_221] in [0] : vector<16xi32>, vector<16xi32> -> vector<16xi32>
      %min3A_223 = arith.minsi %min3A_209, %gather3A_222 : vector<16xi32>
      %xor3A_224 = arith.constant 4 : i32
      %xor3A_225 = vector.broadcast %xor3A_224 : i32 to vector<16xi32>
      %xor3A_226 = arith.xori %iota3A, %xor3A_225 : vector<16xi32>
      %lt3A_227 = arith.constant 0 : i32
      %lt3A_228 = vector.broadcast %lt3A_227 : i32 to vector<16xi32>
      %lt3A_229 = arith.cmpi slt, %xor3A_226, %lt3A_228 : vector<16xi32>
      %add3A_230 = arith.constant 16 : i32
      %add3A_231 = vector.broadcast %add3A_230 : i32 to vector<16xi32>
      %add3A_232 = arith.addi %xor3A_226, %add3A_231 : vector<16xi32>
      %select_n3A_233 = arith.select %lt3A_229, %add3A_232, %xor3A_226 : vector<16xi1>, vector<16xi32>
      %reshape3A_234 = vector.shape_cast %select_n3A_233 : vector<16xi32> to vector<16x1xi32>
      %gather3A_235 = vector.shape_cast %reshape3A_234 : vector<16x1xi32> to vector<16xi32>
      %gather3A_236 = tpu.dynamic_gather %min3A_223[%gather3A_235] in [0] : vector<16xi32>, vector<16xi32> -> vector<16xi32>
      %min3A_237 = arith.minsi %min3A_223, %gather3A_236 : vector<16xi32>
      %xor3A_238 = arith.constant 8 : i32
      %xor3A_239 = vector.broadcast %xor3A_238 : i32 to vector<16xi32>
      %xor3A_240 = arith.xori %iota3A, %xor3A_239 : vector<16xi32>
      %lt3A_241 = arith.constant 0 : i32
      %lt3A_242 = vector.broadcast %lt3A_241 : i32 to vector<16xi32>
      %lt3A_243 = arith.cmpi slt, %xor3A_240, %lt3A_242 : vector<16xi32>
      %add3A_244 = arith.constant 16 : i32
      %add3A_245 = vector.broadcast %add3A_244 : i32 to vector<16xi32>
      %add3A_246 = arith.addi %xor3A_240, %add3A_245 : vector<16xi32>
      %select_n3A_247 = arith.select %lt3A_243, %add3A_246, %xor3A_240 : vector<16xi1>, vector<16xi32>
      %reshape3A_248 = vector.shape_cast %select_n3A_247 : vector<16xi32> to vector<16x1xi32>
      %gather3A_249 = vector.shape_cast %reshape3A_248 : vector<16x1xi32> to vector<16xi32>
      %gather3A_250 = tpu.dynamic_gather %min3A_237[%gather3A_249] in [0] : vector<16xi32>, vector<16xi32> -> vector<16xi32>
      %min3A_251 = arith.minsi %min3A_237, %gather3A_250 : vector<16xi32>
      %mul3A_252 = arith.constant 16 : i32
      %mul3A_253 = vector.broadcast %mul3A_252 : i32 to vector<16xi32>
      %mul3A_254 = arith.muli %min3A_251, %mul3A_253 : vector<16xi32>
      %add3A_255 = arith.addi %mul3A_254, %min3A_170 : vector<16xi32>
      %eq3A_256 = arith.constant 0 : i32
      %eq3A_257 = vector.broadcast %eq3A_256 : i32 to vector<16xi32>
      %eq3A_258 = arith.cmpi eq, %iota3A, %eq3A_257 : vector<16xi32>
      %broadcast_in_dim3A_259 = vector.broadcast %scan3A_57 : i32 to vector<16xi32>
      tpu.vector_store_idx %arg11[%broadcast_in_dim3A_259], %max3A_112 masked %eq3A_258 : memref<32xf32, #tpu.memory_space<vmem>>[vector<16xi32>], vector<16xf32>, vector<16xi1>
      %add3A_260 = vector.broadcast %mul3A_0 : i32 to vector<16xi32>
      %add3A_261 = arith.addi %add3A_255, %add3A_260 : vector<16xi32>
      tpu.vector_store_idx %arg12[%broadcast_in_dim3A_259], %add3A_261 masked %eq3A_258 : memref<32xi32, #tpu.memory_space<vmem>>[vector<16xi32>], vector<16xi32>, vector<16xi1>
      %broadcast_in_dim3A_262 = arith.constant 0xFF800000 : f32
      %broadcast_in_dim3A_263 = vector.broadcast %broadcast_in_dim3A_262 : f32 to vector<16xf32>
      tpu.vector_store_idx %arg6[%add3A_255], %broadcast_in_dim3A_263 masked %eq3A_258 : memref<512xf32, #tpu.memory_space<vmem>>[vector<16xi32>], vector<16xf32>, vector<16xi1>
      %eq3A_264 = arith.cmpi eq, %iota3A, %min3A_251 : vector<16xi32>
      %jit3A_265 = arith.constant 0xFF800000 : f32
      %broadcast_in_dim3A_266 = vector.broadcast %jit3A_265 : f32 to vector<16xf32>
      %select_n3A_267 = arith.select %eq3A_264, %broadcast_in_dim3A_266, %gather3A_175 : vector<16xi1>, vector<16xf32>
      %add3A_268 = arith.constant 16 : i32
      %add3A_269 = vector.broadcast %add3A_268 : i32 to vector<16xi32>
      %add3A_270 = arith.addi %iota3A, %add3A_269 : vector<16xi32>
      %eq3A_271 = arith.cmpi eq, %add3A_270, %min3A_251 : vector<16xi32>
      %jit3A_272 = arith.constant 0xFF800000 : f32
      %broadcast_in_dim3A_273 = vector.broadcast %jit3A_272 : f32 to vector<16xf32>
      %select_n3A_274 = arith.select %eq3A_271, %broadcast_in_dim3A_273, %gather3A_183 : vector<16xi1>, vector<16xf32>
      %max3A_275 = arith.maximumf %select_n3A_267, %select_n3A_274 : vector<16xf32>
      %xor3A_276 = arith.constant 1 : i32
      %xor3A_277 = vector.broadcast %xor3A_276 : i32 to vector<16xi32>
      %xor3A_278 = arith.xori %iota3A, %xor3A_277 : vector<16xi32>
      %lt3A_279 = arith.constant 0 : i32
      %lt3A_280 = vector.broadcast %lt3A_279 : i32 to vector<16xi32>
      %lt3A_281 = arith.cmpi slt, %xor3A_278, %lt3A_280 : vector<16xi32>
      %add3A_282 = arith.constant 16 : i32
      %add3A_283 = vector.broadcast %add3A_282 : i32 to vector<16xi32>
      %add3A_284 = arith.addi %xor3A_278, %add3A_283 : vector<16xi32>
      %select_n3A_285 = arith.select %lt3A_281, %add3A_284, %xor3A_278 : vector<16xi1>, vector<16xi32>
      %reshape3A_286 = vector.shape_cast %select_n3A_285 : vector<16xi32> to vector<16x1xi32>
      %gather3A_287 = vector.shape_cast %reshape3A_286 : vector<16x1xi32> to vector<16xi32>
      %gather3A_288 = tpu.dynamic_gather %max3A_275[%gather3A_287] in [0] : vector<16xf32>, vector<16xi32> -> vector<16xf32>
      %max3A_289 = arith.maximumf %max3A_275, %gather3A_288 : vector<16xf32>
      %xor3A_290 = arith.constant 2 : i32
      %xor3A_291 = vector.broadcast %xor3A_290 : i32 to vector<16xi32>
      %xor3A_292 = arith.xori %iota3A, %xor3A_291 : vector<16xi32>
      %lt3A_293 = arith.constant 0 : i32
      %lt3A_294 = vector.broadcast %lt3A_293 : i32 to vector<16xi32>
      %lt3A_295 = arith.cmpi slt, %xor3A_292, %lt3A_294 : vector<16xi32>
      %add3A_296 = arith.constant 16 : i32
      %add3A_297 = vector.broadcast %add3A_296 : i32 to vector<16xi32>
      %add3A_298 = arith.addi %xor3A_292, %add3A_297 : vector<16xi32>
      %select_n3A_299 = arith.select %lt3A_295, %add3A_298, %xor3A_292 : vector<16xi1>, vector<16xi32>
      %reshape3A_300 = vector.shape_cast %select_n3A_299 : vector<16xi32> to vector<16x1xi32>
      %gather3A_301 = vector.shape_cast %reshape3A_300 : vector<16x1xi32> to vector<16xi32>
      %gather3A_302 = tpu.dynamic_gather %max3A_289[%gather3A_301] in [0] : vector<16xf32>, vector<16xi32> -> vector<16xf32>
      %max3A_303 = arith.maximumf %max3A_289, %gather3A_302 : vector<16xf32>
      %xor3A_304 = arith.constant 4 : i32
      %xor3A_305 = vector.broadcast %xor3A_304 : i32 to vector<16xi32>
      %xor3A_306 = arith.xori %iota3A, %xor3A_305 : vector<16xi32>
      %lt3A_307 = arith.constant 0 : i32
      %lt3A_308 = vector.broadcast %lt3A_307 : i32 to vector<16xi32>
      %lt3A_309 = arith.cmpi slt, %xor3A_306, %lt3A_308 : vector<16xi32>
      %add3A_310 = arith.constant 16 : i32
      %add3A_311 = vector.broadcast %add3A_310 : i32 to vector<16xi32>
      %add3A_312 = arith.addi %xor3A_306, %add3A_311 : vector<16xi32>
      %select_n3A_313 = arith.select %lt3A_309, %add3A_312, %xor3A_306 : vector<16xi1>, vector<16xi32>
      %reshape3A_314 = vector.shape_cast %select_n3A_313 : vector<16xi32> to vector<16x1xi32>
      %gather3A_315 = vector.shape_cast %reshape3A_314 : vector<16x1xi32> to vector<16xi32>
      %gather3A_316 = tpu.dynamic_gather %max3A_303[%gather3A_315] in [0] : vector<16xf32>, vector<16xi32> -> vector<16xf32>
      %max3A_317 = arith.maximumf %max3A_303, %gather3A_316 : vector<16xf32>
      %xor3A_318 = arith.constant 8 : i32
      %xor3A_319 = vector.broadcast %xor3A_318 : i32 to vector<16xi32>
      %xor3A_320 = arith.xori %iota3A, %xor3A_319 : vector<16xi32>
      %lt3A_321 = arith.constant 0 : i32
      %lt3A_322 = vector.broadcast %lt3A_321 : i32 to vector<16xi32>
      %lt3A_323 = arith.cmpi slt, %xor3A_320, %lt3A_322 : vector<16xi32>
      %add3A_324 = arith.constant 16 : i32
      %add3A_325 = vector.broadcast %add3A_324 : i32 to vector<16xi32>
      %add3A_326 = arith.addi %xor3A_320, %add3A_325 : vector<16xi32>
      %select_n3A_327 = arith.select %lt3A_323, %add3A_326, %xor3A_320 : vector<16xi1>, vector<16xi32>
      %reshape3A_328 = vector.shape_cast %select_n3A_327 : vector<16xi32> to vector<16x1xi32>
      %gather3A_329 = vector.shape_cast %reshape3A_328 : vector<16x1xi32> to vector<16xi32>
      %gather3A_330 = tpu.dynamic_gather %max3A_317[%gather3A_329] in [0] : vector<16xf32>, vector<16xi32> -> vector<16xf32>
      %max3A_331 = arith.maximumf %max3A_317, %gather3A_330 : vector<16xf32>
      %eq3A_332 = arith.cmpi eq, %iota3A, %min3A_170 : vector<16xi32>
      %select_n3A_333 = arith.select %eq3A_332, %max3A_331, %scan3A_58 : vector<16xi1>, vector<16xf32>
      scf.yield %select_n3A_333 : vector<16xf32>
    }
    %scan3A_12 = arith.constant 32 : i32
    %mul3A_13 = arith.constant 32 : i32
    %mul3A_14 = arith.muli %arg1, %mul3A_13 : i32
    "tpu.region"() ({
      %run_scoped3A = tpu.sem_alloc : memref<!tpu.dma_semaphore, #tpu.memory_space<semaphore_mem>>
      %dma_start3A_57 = tpu.memref_slice %arg7[%mul3A_14] : memref<512xf32, #tpu.memory_space<vmem_shared>> -> memref<32xf32, #tpu.memory_space<vmem_shared>>
      %dma_start3A_58 = tpu.memref_slice %arg7[%mul3A_14] : memref<512xf32, #tpu.memory_space<vmem_shared>> -> memref<32xf32, #tpu.memory_space<vmem_shared>>
      tpu.enqueue_dma source(%arg11 : memref<32xf32, #tpu.memory_space<vmem>>) target(%dma_start3A_58 : memref<32xf32, #tpu.memory_space<vmem_shared>>) target_semaphore(%run_scoped3A : memref<!tpu.dma_semaphore, #tpu.memory_space<semaphore_mem>>)
      %dma_wait3A_59 = tpu.memref_slice %arg7[%mul3A_14] : memref<512xf32, #tpu.memory_space<vmem_shared>> -> memref<32xf32, #tpu.memory_space<vmem_shared>>
      %dma_wait3A_60 = tpu.memref_slice %arg7[%mul3A_14] : memref<512xf32, #tpu.memory_space<vmem_shared>> -> memref<32xf32, #tpu.memory_space<vmem_shared>>
      tpu.wait_dma2 semaphore(%run_scoped3A : memref<!tpu.dma_semaphore, #tpu.memory_space<semaphore_mem>>) src(%arg11 : memref<32xf32, #tpu.memory_space<vmem>>) dst(%dma_wait3A_60 : memref<32xf32, #tpu.memory_space<vmem_shared>>)
      tpu.yield
    }) : () -> ()
    %mul3A_15 = arith.constant 32 : i32
    %mul3A_16 = arith.muli %arg1, %mul3A_15 : i32
    "tpu.region"() ({
      %run_scoped3A = tpu.sem_alloc : memref<!tpu.dma_semaphore, #tpu.memory_space<semaphore_mem>>
      %dma_start3A_57 = tpu.memref_slice %arg8[%mul3A_16] : memref<512xi32, #tpu.memory_space<vmem_shared>> -> memref<32xi32, #tpu.memory_space<vmem_shared>>
      %dma_start3A_58 = tpu.memref_slice %arg8[%mul3A_16] : memref<512xi32, #tpu.memory_space<vmem_shared>> -> memref<32xi32, #tpu.memory_space<vmem_shared>>
      tpu.enqueue_dma source(%arg12 : memref<32xi32, #tpu.memory_space<vmem>>) target(%dma_start3A_58 : memref<32xi32, #tpu.memory_space<vmem_shared>>) target_semaphore(%run_scoped3A : memref<!tpu.dma_semaphore, #tpu.memory_space<semaphore_mem>>)
      %dma_wait3A_59 = tpu.memref_slice %arg8[%mul3A_16] : memref<512xi32, #tpu.memory_space<vmem_shared>> -> memref<32xi32, #tpu.memory_space<vmem_shared>>
      %dma_wait3A_60 = tpu.memref_slice %arg8[%mul3A_16] : memref<512xi32, #tpu.memory_space<vmem_shared>> -> memref<32xi32, #tpu.memory_space<vmem_shared>>
      tpu.wait_dma2 semaphore(%run_scoped3A : memref<!tpu.dma_semaphore, #tpu.memory_space<semaphore_mem>>) src(%arg12 : memref<32xi32, #tpu.memory_space<vmem>>) dst(%dma_wait3A_60 : memref<32xi32, #tpu.memory_space<vmem_shared>>)
      tpu.yield
    }) : () -> ()
    %barrier3A = arith.constant 0 : index
    tpu.barrier barrier_id(%barrier3A)
    "tpu.region"() ({
      %run_scoped3A = tpu.sem_alloc : memref<!tpu.dma_semaphore, #tpu.memory_space<semaphore_mem>>
      tpu.enqueue_dma source(%arg7 : memref<512xf32, #tpu.memory_space<vmem_shared>>) target(%arg9 : memref<512xf32, #tpu.memory_space<vmem>>) target_semaphore(%run_scoped3A : memref<!tpu.dma_semaphore, #tpu.memory_space<semaphore_mem>>)
      tpu.wait_dma2 semaphore(%run_scoped3A : memref<!tpu.dma_semaphore, #tpu.memory_space<semaphore_mem>>) src(%arg7 : memref<512xf32, #tpu.memory_space<vmem_shared>>) dst(%arg9 : memref<512xf32, #tpu.memory_space<vmem>>)
      tpu.yield
    }) : () -> ()
    "tpu.region"() ({
      %run_scoped3A = tpu.sem_alloc : memref<!tpu.dma_semaphore, #tpu.memory_space<semaphore_mem>>
      tpu.enqueue_dma source(%arg8 : memref<512xi32, #tpu.memory_space<vmem_shared>>) target(%arg10 : memref<512xi32, #tpu.memory_space<vmem>>) target_semaphore(%run_scoped3A : memref<!tpu.dma_semaphore, #tpu.memory_space<semaphore_mem>>)
      tpu.wait_dma2 semaphore(%run_scoped3A : memref<!tpu.dma_semaphore, #tpu.memory_space<semaphore_mem>>) src(%arg8 : memref<512xi32, #tpu.memory_space<vmem_shared>>) dst(%arg10 : memref<512xi32, #tpu.memory_space<vmem>>)
      tpu.yield
    }) : () -> ()
    %broadcast_in_dim3A_17 = arith.constant 0 : i32
    %broadcast_in_dim3A_18 = vector.broadcast %broadcast_in_dim3A_17 : i32 to vector<16xi32>
    %broadcast_in_dim3A_19 = arith.constant 0xFF800000 : f32
    %broadcast_in_dim3A_20 = vector.broadcast %broadcast_in_dim3A_19 : f32 to vector<16xf32>
    %broadcast_in_dim3A_21 = arith.constant 0xFF800000 : f32
    %broadcast_in_dim3A_22 = vector.broadcast %broadcast_in_dim3A_21 : f32 to vector<16xf32>
    %broadcast_in_dim3A_23 = arith.constant 0 : i32
    %broadcast_in_dim3A_24 = vector.broadcast %broadcast_in_dim3A_23 : i32 to vector<16xi32>
    %broadcast_in_dim3A_25 = arith.constant 0 : i32
    %broadcast_in_dim3A_26 = vector.broadcast %broadcast_in_dim3A_25 : i32 to vector<16xi32>
    %scan3A_27 = arith.constant 0 : i32
    %scan3A_28 = arith.constant 32 : i32
    %scan3A_29 = arith.addi %scan3A_27, %scan3A_28 : i32
    %scan3A_30 = arith.constant 1 : i32
    %scan3A_31:5 = scf.for %scan3A_57 = %scan3A_27 to %scan3A_29 step %scan3A_30 iter_args(%scan3A_58 = %broadcast_in_dim3A_18, %scan3A_59 = %broadcast_in_dim3A_20, %scan3A_60 = %broadcast_in_dim3A_22, %scan3A_61 = %broadcast_in_dim3A_24, %scan3A_62 = %broadcast_in_dim3A_26) -> (vector<16xi32>, vector<16xf32>, vector<16xf32>, vector<16xi32>, vector<16xi32>)  : i32 {
      %mul3A_63 = arith.constant 32 : i32
      %mul3A_64 = vector.broadcast %mul3A_63 : i32 to vector<16xi32>
      %mul3A_65 = arith.muli %iota3A, %mul3A_64 : vector<16xi32>
      %min3A = arith.constant 31 : i32
      %min3A_66 = vector.broadcast %min3A : i32 to vector<16xi32>
      %min3A_67 = arith.minsi %scan3A_58, %min3A_66 : vector<16xi32>
      %add3A_68 = arith.addi %mul3A_65, %min3A_67 : vector<16xi32>
      %gather3A_69 = tpu.vector_load_idx %arg9[%add3A_68] : memref<512xf32, #tpu.memory_space<vmem>>[vector<16xi32>], vector<16xf32>,
      %gather3A_70 = tpu.vector_load_idx %arg10[%add3A_68] : memref<512xi32, #tpu.memory_space<vmem>>[vector<16xi32>], vector<16xi32>,
      %gt3A = arith.constant 31 : i32
      %gt3A_71 = vector.broadcast %gt3A : i32 to vector<16xi32>
      %gt3A_72 = arith.cmpi sgt, %scan3A_58, %gt3A_71 : vector<16xi32>
      %jit3A = arith.constant 0xFF800000 : f32
      %broadcast_in_dim3A_73 = vector.broadcast %jit3A : f32 to vector<16xf32>
      %select_n3A_74 = arith.select %gt3A_72, %broadcast_in_dim3A_73, %gather3A_69 : vector<16xi1>, vector<16xf32>
      %xor3A = arith.constant 1 : i32
      %xor3A_75 = vector.broadcast %xor3A : i32 to vector<16xi32>
      %xor3A_76 = arith.xori %iota3A, %xor3A_75 : vector<16xi32>
      %lt3A_77 = arith.constant 0 : i32
      %lt3A_78 = vector.broadcast %lt3A_77 : i32 to vector<16xi32>
      %lt3A_79 = arith.cmpi slt, %xor3A_76, %lt3A_78 : vector<16xi32>
      %add3A_80 = arith.constant 16 : i32
      %add3A_81 = vector.broadcast %add3A_80 : i32 to vector<16xi32>
      %add3A_82 = arith.addi %xor3A_76, %add3A_81 : vector<16xi32>
      %select_n3A_83 = arith.select %lt3A_79, %add3A_82, %xor3A_76 : vector<16xi1>, vector<16xi32>
      %reshape3A_84 = vector.shape_cast %select_n3A_83 : vector<16xi32> to vector<16x1xi32>
      %gather3A_85 = vector.shape_cast %reshape3A_84 : vector<16x1xi32> to vector<16xi32>
      %gather3A_86 = tpu.dynamic_gather %select_n3A_74[%gather3A_85] in [0] : vector<16xf32>, vector<16xi32> -> vector<16xf32>
      %max3A = arith.maximumf %select_n3A_74, %gather3A_86 : vector<16xf32>
      %xor3A_87 = arith.constant 2 : i32
      %xor3A_88 = vector.broadcast %xor3A_87 : i32 to vector<16xi32>
      %xor3A_89 = arith.xori %iota3A, %xor3A_88 : vector<16xi32>
      %lt3A_90 = arith.constant 0 : i32
      %lt3A_91 = vector.broadcast %lt3A_90 : i32 to vector<16xi32>
      %lt3A_92 = arith.cmpi slt, %xor3A_89, %lt3A_91 : vector<16xi32>
      %add3A_93 = arith.constant 16 : i32
      %add3A_94 = vector.broadcast %add3A_93 : i32 to vector<16xi32>
      %add3A_95 = arith.addi %xor3A_89, %add3A_94 : vector<16xi32>
      %select_n3A_96 = arith.select %lt3A_92, %add3A_95, %xor3A_89 : vector<16xi1>, vector<16xi32>
      %reshape3A_97 = vector.shape_cast %select_n3A_96 : vector<16xi32> to vector<16x1xi32>
      %gather3A_98 = vector.shape_cast %reshape3A_97 : vector<16x1xi32> to vector<16xi32>
      %gather3A_99 = tpu.dynamic_gather %max3A[%gather3A_98] in [0] : vector<16xf32>, vector<16xi32> -> vector<16xf32>
      %max3A_100 = arith.maximumf %max3A, %gather3A_99 : vector<16xf32>
      %xor3A_101 = arith.constant 4 : i32
      %xor3A_102 = vector.broadcast %xor3A_101 : i32 to vector<16xi32>
      %xor3A_103 = arith.xori %iota3A, %xor3A_102 : vector<16xi32>
      %lt3A_104 = arith.constant 0 : i32
      %lt3A_105 = vector.broadcast %lt3A_104 : i32 to vector<16xi32>
      %lt3A_106 = arith.cmpi slt, %xor3A_103, %lt3A_105 : vector<16xi32>
      %add3A_107 = arith.constant 16 : i32
      %add3A_108 = vector.broadcast %add3A_107 : i32 to vector<16xi32>
      %add3A_109 = arith.addi %xor3A_103, %add3A_108 : vector<16xi32>
      %select_n3A_110 = arith.select %lt3A_106, %add3A_109, %xor3A_103 : vector<16xi1>, vector<16xi32>
      %reshape3A_111 = vector.shape_cast %select_n3A_110 : vector<16xi32> to vector<16x1xi32>
      %gather3A_112 = vector.shape_cast %reshape3A_111 : vector<16x1xi32> to vector<16xi32>
      %gather3A_113 = tpu.dynamic_gather %max3A_100[%gather3A_112] in [0] : vector<16xf32>, vector<16xi32> -> vector<16xf32>
      %max3A_114 = arith.maximumf %max3A_100, %gather3A_113 : vector<16xf32>
      %xor3A_115 = arith.constant 8 : i32
      %xor3A_116 = vector.broadcast %xor3A_115 : i32 to vector<16xi32>
      %xor3A_117 = arith.xori %iota3A, %xor3A_116 : vector<16xi32>
      %lt3A_118 = arith.constant 0 : i32
      %lt3A_119 = vector.broadcast %lt3A_118 : i32 to vector<16xi32>
      %lt3A_120 = arith.cmpi slt, %xor3A_117, %lt3A_119 : vector<16xi32>
      %add3A_121 = arith.constant 16 : i32
      %add3A_122 = vector.broadcast %add3A_121 : i32 to vector<16xi32>
      %add3A_123 = arith.addi %xor3A_117, %add3A_122 : vector<16xi32>
      %select_n3A_124 = arith.select %lt3A_120, %add3A_123, %xor3A_117 : vector<16xi1>, vector<16xi32>
      %reshape3A_125 = vector.shape_cast %select_n3A_124 : vector<16xi32> to vector<16x1xi32>
      %gather3A_126 = vector.shape_cast %reshape3A_125 : vector<16x1xi32> to vector<16xi32>
      %gather3A_127 = tpu.dynamic_gather %max3A_114[%gather3A_126] in [0] : vector<16xf32>, vector<16xi32> -> vector<16xf32>
      %max3A_128 = arith.maximumf %max3A_114, %gather3A_127 : vector<16xf32>
      %eq3A_129 = arith.cmpf oeq, %select_n3A_74, %max3A_128 : vector<16xf32>
      %jit3A_130 = arith.constant 1073741824 : i32
      %broadcast_in_dim3A_131 = vector.broadcast %jit3A_130 : i32 to vector<16xi32>
      %select_n3A_132 = arith.select %eq3A_129, %gather3A_70, %broadcast_in_dim3A_131 : vector<16xi1>, vector<16xi32>
      %xor3A_133 = arith.constant 1 : i32
      %xor3A_134 = vector.broadcast %xor3A_133 : i32 to vector<16xi32>
      %xor3A_135 = arith.xori %iota3A, %xor3A_134 : vector<16xi32>
      %lt3A_136 = arith.constant 0 : i32
      %lt3A_137 = vector.broadcast %lt3A_136 : i32 to vector<16xi32>
      %lt3A_138 = arith.cmpi slt, %xor3A_135, %lt3A_137 : vector<16xi32>
      %add3A_139 = arith.constant 16 : i32
      %add3A_140 = vector.broadcast %add3A_139 : i32 to vector<16xi32>
      %add3A_141 = arith.addi %xor3A_135, %add3A_140 : vector<16xi32>
      %select_n3A_142 = arith.select %lt3A_138, %add3A_141, %xor3A_135 : vector<16xi1>, vector<16xi32>
      %reshape3A_143 = vector.shape_cast %select_n3A_142 : vector<16xi32> to vector<16x1xi32>
      %gather3A_144 = vector.shape_cast %reshape3A_143 : vector<16x1xi32> to vector<16xi32>
      %gather3A_145 = tpu.dynamic_gather %select_n3A_132[%gather3A_144] in [0] : vector<16xi32>, vector<16xi32> -> vector<16xi32>
      %min3A_146 = arith.minsi %select_n3A_132, %gather3A_145 : vector<16xi32>
      %xor3A_147 = arith.constant 2 : i32
      %xor3A_148 = vector.broadcast %xor3A_147 : i32 to vector<16xi32>
      %xor3A_149 = arith.xori %iota3A, %xor3A_148 : vector<16xi32>
      %lt3A_150 = arith.constant 0 : i32
      %lt3A_151 = vector.broadcast %lt3A_150 : i32 to vector<16xi32>
      %lt3A_152 = arith.cmpi slt, %xor3A_149, %lt3A_151 : vector<16xi32>
      %add3A_153 = arith.constant 16 : i32
      %add3A_154 = vector.broadcast %add3A_153 : i32 to vector<16xi32>
      %add3A_155 = arith.addi %xor3A_149, %add3A_154 : vector<16xi32>
      %select_n3A_156 = arith.select %lt3A_152, %add3A_155, %xor3A_149 : vector<16xi1>, vector<16xi32>
      %reshape3A_157 = vector.shape_cast %select_n3A_156 : vector<16xi32> to vector<16x1xi32>
      %gather3A_158 = vector.shape_cast %reshape3A_157 : vector<16x1xi32> to vector<16xi32>
      %gather3A_159 = tpu.dynamic_gather %min3A_146[%gather3A_158] in [0] : vector<16xi32>, vector<16xi32> -> vector<16xi32>
      %min3A_160 = arith.minsi %min3A_146, %gather3A_159 : vector<16xi32>
      %xor3A_161 = arith.constant 4 : i32
      %xor3A_162 = vector.broadcast %xor3A_161 : i32 to vector<16xi32>
      %xor3A_163 = arith.xori %iota3A, %xor3A_162 : vector<16xi32>
      %lt3A_164 = arith.constant 0 : i32
      %lt3A_165 = vector.broadcast %lt3A_164 : i32 to vector<16xi32>
      %lt3A_166 = arith.cmpi slt, %xor3A_163, %lt3A_165 : vector<16xi32>
      %add3A_167 = arith.constant 16 : i32
      %add3A_168 = vector.broadcast %add3A_167 : i32 to vector<16xi32>
      %add3A_169 = arith.addi %xor3A_163, %add3A_168 : vector<16xi32>
      %select_n3A_170 = arith.select %lt3A_166, %add3A_169, %xor3A_163 : vector<16xi1>, vector<16xi32>
      %reshape3A_171 = vector.shape_cast %select_n3A_170 : vector<16xi32> to vector<16x1xi32>
      %gather3A_172 = vector.shape_cast %reshape3A_171 : vector<16x1xi32> to vector<16xi32>
      %gather3A_173 = tpu.dynamic_gather %min3A_160[%gather3A_172] in [0] : vector<16xi32>, vector<16xi32> -> vector<16xi32>
      %min3A_174 = arith.minsi %min3A_160, %gather3A_173 : vector<16xi32>
      %xor3A_175 = arith.constant 8 : i32
      %xor3A_176 = vector.broadcast %xor3A_175 : i32 to vector<16xi32>
      %xor3A_177 = arith.xori %iota3A, %xor3A_176 : vector<16xi32>
      %lt3A_178 = arith.constant 0 : i32
      %lt3A_179 = vector.broadcast %lt3A_178 : i32 to vector<16xi32>
      %lt3A_180 = arith.cmpi slt, %xor3A_177, %lt3A_179 : vector<16xi32>
      %add3A_181 = arith.constant 16 : i32
      %add3A_182 = vector.broadcast %add3A_181 : i32 to vector<16xi32>
      %add3A_183 = arith.addi %xor3A_177, %add3A_182 : vector<16xi32>
      %select_n3A_184 = arith.select %lt3A_180, %add3A_183, %xor3A_177 : vector<16xi1>, vector<16xi32>
      %reshape3A_185 = vector.shape_cast %select_n3A_184 : vector<16xi32> to vector<16x1xi32>
      %gather3A_186 = vector.shape_cast %reshape3A_185 : vector<16x1xi32> to vector<16xi32>
      %gather3A_187 = tpu.dynamic_gather %min3A_174[%gather3A_186] in [0] : vector<16xi32>, vector<16xi32> -> vector<16xi32>
      %min3A_188 = arith.minsi %min3A_174, %gather3A_187 : vector<16xi32>
      %eq3A_189 = arith.cmpi eq, %select_n3A_132, %min3A_188 : vector<16xi32>
      %eq3A_190 = arith.cmpf oeq, %select_n3A_74, %max3A_128 : vector<16xf32>
      %and3A = arith.andi %eq3A_189, %eq3A_190 : vector<16xi1>
      %jit3A_191 = arith.constant 1 : i32
      %jit3A_192 = arith.constant 0 : i32
      %broadcast_in_dim3A_193 = vector.broadcast %jit3A_191 : i32 to vector<16xi32>
      %broadcast_in_dim3A_194 = vector.broadcast %jit3A_192 : i32 to vector<16xi32>
      %select_n3A_195 = arith.select %and3A, %broadcast_in_dim3A_193, %broadcast_in_dim3A_194 : vector<16xi1>, vector<16xi32>
      %add3A_196 = arith.addi %scan3A_58, %select_n3A_195 : vector<16xi32>
      %rem3A = arith.constant 16 : i32
      %rem3A_197 = arith.remsi %scan3A_57, %rem3A : i32
      %lt3A_198 = arith.constant 16 : i32
      %lt3A_199 = arith.cmpi slt, %scan3A_57, %lt3A_198 : i32
      %eq3A_200 = vector.broadcast %rem3A_197 : i32 to vector<16xi32>
      %eq3A_201 = arith.cmpi eq, %iota3A, %eq3A_200 : vector<16xi32>
      %and3A_202 = vector.broadcast %lt3A_199 : i1 to vector<16xi1>
      %and3A_203 = arith.andi %and3A_202, %eq3A_201 : vector<16xi1>
      %select_n3A_204 = arith.select %and3A_203, %max3A_128, %scan3A_59 : vector<16xi1>, vector<16xf32>
      %and3A_205 = vector.broadcast %lt3A_199 : i1 to vector<16xi1>
      %and3A_206 = arith.andi %and3A_205, %eq3A_201 : vector<16xi1>
      %select_n3A_207 = arith.select %and3A_206, %min3A_188, %scan3A_61 : vector<16xi1>, vector<16xi32>
      %not3A = arith.constant true
      %not3A_208 = arith.xori %lt3A_199, %not3A : i1
      %and3A_209 = vector.broadcast %not3A_208 : i1 to vector<16xi1>
      %and3A_210 = arith.andi %and3A_209, %eq3A_201 : vector<16xi1>
      %select_n3A_211 = arith.select %and3A_210, %max3A_128, %scan3A_60 : vector<16xi1>, vector<16xf32>
      %not3A_212 = arith.constant true
      %not3A_213 = arith.xori %lt3A_199, %not3A_212 : i1
      %and3A_214 = vector.broadcast %not3A_213 : i1 to vector<16xi1>
      %and3A_215 = arith.andi %and3A_214, %eq3A_201 : vector<16xi1>
      %select_n3A_216 = arith.select %and3A_215, %min3A_188, %scan3A_62 : vector<16xi1>, vector<16xi32>
      scf.yield %add3A_196, %select_n3A_204, %select_n3A_211, %select_n3A_207, %select_n3A_216 : vector<16xi32>, vector<16xf32>, vector<16xf32>, vector<16xi32>, vector<16xi32>
    }
    %scan3A_32 = arith.constant 32 : i32
    %eq3A = arith.constant 0 : i32
    %eq3A_33 = arith.cmpi eq, %arg0, %eq3A : i32
    %select_n3A = arith.select %eq3A_33, %scan3A_31#1, %scan3A_31#2 : vector<16xf32>
    %select_n3A_34 = arith.select %eq3A_33, %scan3A_31#3, %scan3A_31#4 : vector<16xi32>
    %eq3A_35 = arith.constant 0 : i32
    %eq3A_36 = arith.cmpi eq, %arg1, %eq3A_35 : i32
    %convert_element_type3A = arith.extui %eq3A_36 : i1 to i32
    %cond3A = arith.constant 0 : i32
    %cond3A_37 = arith.cmpi ne, %convert_element_type3A, %cond3A : i32
    scf.if %cond3A_37 {
      %swap3A = arith.constant 0 : index
      %swap3A_57 = tpu.vector_load %arg14[%swap3A] {strides = array<i32>} : memref<16xf32, #tpu.memory_space<vmem>>, vector<16xf32>,
      tpu.vector_store %arg14[%swap3A], %select_n3A {strides = array<i32>} : memref<16xf32, #tpu.memory_space<vmem>>, vector<16xf32>,
      %mul3A_58 = arith.constant 16 : i32
      %mul3A_59 = arith.muli %arg0, %mul3A_58 : i32
      "tpu.region"() ({
        %run_scoped3A = tpu.sem_alloc : memref<!tpu.dma_semaphore, #tpu.memory_space<semaphore_mem>>
        %dma_start3A_60 = tpu.memref_slice %arg5[%mul3A_59] : memref<32xf32, #tpu.memory_space<hbm>> -> memref<16xf32, #tpu.memory_space<hbm>>
        %dma_start3A_61 = tpu.memref_slice %arg5[%mul3A_59] : memref<32xf32, #tpu.memory_space<hbm>> -> memref<16xf32, #tpu.memory_space<hbm>>
        tpu.enqueue_dma source(%arg14 : memref<16xf32, #tpu.memory_space<vmem>>) target(%dma_start3A_61 : memref<16xf32, #tpu.memory_space<hbm>>) target_semaphore(%run_scoped3A : memref<!tpu.dma_semaphore, #tpu.memory_space<semaphore_mem>>)
        %dma_wait3A_62 = tpu.memref_slice %arg5[%mul3A_59] : memref<32xf32, #tpu.memory_space<hbm>> -> memref<16xf32, #tpu.memory_space<hbm>>
        %dma_wait3A_63 = tpu.memref_slice %arg5[%mul3A_59] : memref<32xf32, #tpu.memory_space<hbm>> -> memref<16xf32, #tpu.memory_space<hbm>>
        tpu.wait_dma2 semaphore(%run_scoped3A : memref<!tpu.dma_semaphore, #tpu.memory_space<semaphore_mem>>) src(%arg14 : memref<16xf32, #tpu.memory_space<vmem>>) dst(%dma_wait3A_63 : memref<16xf32, #tpu.memory_space<hbm>>)
        tpu.yield
      }) : () -> ()
    } else {
    }
    %broadcast_in_dim3A_38 = vector.broadcast %arg1 : i32 to vector<16xi32>
    %lt3A = arith.constant 0 : i32
    %lt3A_39 = vector.broadcast %lt3A : i32 to vector<16xi32>
    %lt3A_40 = arith.cmpi slt, %broadcast_in_dim3A_38, %lt3A_39 : vector<16xi32>
    %add3A = arith.constant 16 : i32
    %add3A_41 = vector.broadcast %add3A : i32 to vector<16xi32>
    %add3A_42 = arith.addi %broadcast_in_dim3A_38, %add3A_41 : vector<16xi32>
    %select_n3A_43 = arith.select %lt3A_40, %add3A_42, %broadcast_in_dim3A_38 : vector<16xi1>, vector<16xi32>
    %reshape3A = vector.shape_cast %select_n3A_43 : vector<16xi32> to vector<16x1xi32>
    %gather3A = vector.shape_cast %reshape3A : vector<16x1xi32> to vector<16xi32>
    %gather3A_44 = tpu.dynamic_gather %select_n3A_34[%gather3A] in [0] : vector<16xi32>, vector<16xi32> -> vector<16xi32>
    %broadcast_in_dim3A_45 = arith.constant 0 : i32
    %broadcast_in_dim3A_46 = vector.broadcast %broadcast_in_dim3A_45 : i32 to vector<16xi32>
    %eq3A_47 = arith.constant 0 : i32
    %eq3A_48 = vector.broadcast %eq3A_47 : i32 to vector<16xi32>
    %eq3A_49 = arith.cmpi eq, %iota3A, %eq3A_48 : vector<16xi32>
    tpu.vector_store_idx %arg15[%broadcast_in_dim3A_46], %gather3A_44 masked %eq3A_49 : memref<1xi32, #tpu.memory_space<vmem>>[vector<16xi32>], vector<16xi32>, vector<16xi1>
    %dma_start3A = arith.constant 0 : i32
    %dma_start3A_50 = arith.constant 0 : i32
    %dma_start3A_51 = tpu.memref_slice %arg3[%dma_start3A, %dma_start3A_50] : memref<8192x768xf32, #tpu.memory_space<hbm>> -> memref<8192x768xf32, #tpu.memory_space<hbm>>
    tpu.enqueue_indirect_dma source(%dma_start3A_51 : memref<8192x768xf32, #tpu.memory_space<hbm>>) target(%arg16 : memref<1x768xf32, #tpu.memory_space<vmem>>) offsets(%arg15 : memref<1xi32, #tpu.memory_space<vmem>>) semaphore(%arg17 : memref<!tpu.dma_semaphore, #tpu.memory_space<semaphore_mem>>)
    %dma_wait3A = arith.constant 0 : i32
    %dma_wait3A_52 = arith.constant 0 : i32
    %dma_wait3A_53 = tpu.memref_slice %arg3[%dma_wait3A, %dma_wait3A_52] : memref<8192x768xf32, #tpu.memory_space<hbm>> -> memref<8192x768xf32, #tpu.memory_space<hbm>>
    tpu.wait_indirect_dma semaphore(%arg17 : memref<!tpu.dma_semaphore, #tpu.memory_space<semaphore_mem>>) src(%dma_wait3A_53 : memref<8192x768xf32, #tpu.memory_space<hbm>>) dst(%arg16 : memref<1x768xf32, #tpu.memory_space<vmem>>)
    %mul3A_54 = arith.constant 16 : i32
    %mul3A_55 = arith.muli %arg0, %mul3A_54 : i32
    %add3A_56 = arith.addi %mul3A_55, %arg1 : i32
    "tpu.region"() ({
      %run_scoped3A = tpu.sem_alloc : memref<!tpu.dma_semaphore, #tpu.memory_space<semaphore_mem>>
      %dma_start3A_57 = arith.constant 0 : i32
      %dma_start3A_58 = tpu.memref_slice %arg4[%add3A_56, %dma_start3A_57] : memref<32x768xf32, #tpu.memory_space<hbm>> -> memref<1x768xf32, #tpu.memory_space<hbm>>
      %dma_start3A_59 = arith.constant 0 : i32
      %dma_start3A_60 = tpu.memref_slice %arg4[%add3A_56, %dma_start3A_59] : memref<32x768xf32, #tpu.memory_space<hbm>> -> memref<1x768xf32, #tpu.memory_space<hbm>>
      tpu.enqueue_dma source(%arg16 : memref<1x768xf32, #tpu.memory_space<vmem>>) target(%dma_start3A_60 : memref<1x768xf32, #tpu.memory_space<hbm>>) target_semaphore(%run_scoped3A : memref<!tpu.dma_semaphore, #tpu.memory_space<semaphore_mem>>)
      %dma_wait3A_61 = arith.constant 0 : i32
      %dma_wait3A_62 = tpu.memref_slice %arg4[%add3A_56, %dma_wait3A_61] : memref<32x768xf32, #tpu.memory_space<hbm>> -> memref<1x768xf32, #tpu.memory_space<hbm>>
      %dma_wait3A_63 = arith.constant 0 : i32
      %dma_wait3A_64 = tpu.memref_slice %arg4[%add3A_56, %dma_wait3A_63] : memref<32x768xf32, #tpu.memory_space<hbm>> -> memref<1x768xf32, #tpu.memory_space<hbm>>
      tpu.wait_dma2 semaphore(%run_scoped3A : memref<!tpu.dma_semaphore, #tpu.memory_space<semaphore_mem>>) src(%arg16 : memref<1x768xf32, #tpu.memory_space<vmem>>) dst(%dma_wait3A_64 : memref<1x768xf32, #tpu.memory_space<hbm>>)
      tpu.yield
    }) : () -> ()
    return
  }
}

module attributes {stable_mosaic.version = 14 : i64} {
  func.func @_finish_body(%arg0: memref<1x2048xf32, #tpu.memory_space<vmem>>, %arg1: memref<1x2048xf32, #tpu.memory_space<vmem>>, %arg2: memref<32xf32, #tpu.memory_space<vmem>>, %arg3: memref<32x768xf32, #tpu.memory_space<vmem>>, %arg4: memref<768x256xf32, #tpu.memory_space<vmem>>, %arg5: memref<256xf32, #tpu.memory_space<vmem>>, %arg6: memref<256x768xf32, #tpu.memory_space<vmem>>, %arg7: memref<768xf32, #tpu.memory_space<vmem>>, %arg8: memref<768xf32, #tpu.memory_space<vmem>>) attributes {dimension_semantics = [], scalar_prefetch = 0 : i64, scratch_operands = 0 : i64, tpu.core_type = #tpu.core_type<tc>} {
    %get3A = arith.constant 0 : index
    %get3A_0 = arith.constant 0 : index
    %get3A_1 = vector.load %arg0[%get3A, %get3A_0] : memref<1x2048xf32, #tpu.memory_space<vmem>>, vector<1x2048xf32>
    %reduce_max3A = vector.shape_cast %get3A_1 : vector<1x2048xf32> to vector<1x1x2048xf32>
    %reduce_max3A_2 = arith.constant dense<0xFF800000> : vector<1xf32>
    %reduce_max3A_3 = vector.multi_reduction <maximumf>, %reduce_max3A, %reduce_max3A_2 [1, 2] : vector<1x1x2048xf32> to vector<1xf32>
    %reduce_max3A_4 = vector.shape_cast %reduce_max3A_3 : vector<1xf32> to vector<1x1x1xf32>
    %reduce_max3A_5 = vector.extract %reduce_max3A_4[0, 0, 0] : f32 from vector<1x1x1xf32>
    %get3A_6 = arith.constant 0 : index
    %get3A_7 = arith.constant 0 : index
    %get3A_8 = vector.load %arg1[%get3A_6, %get3A_7] : memref<1x2048xf32, #tpu.memory_space<vmem>>, vector<1x2048xf32>
    %get3A_9 = arith.constant 0 : index
    %get3A_10 = arith.constant 0 : index
    %get3A_11 = vector.load %arg0[%get3A_9, %get3A_10] : memref<1x2048xf32, #tpu.memory_space<vmem>>, vector<1x2048xf32>
    %sub3A = vector.broadcast %reduce_max3A_5 : f32 to vector<1x2048xf32>
    %sub3A_12 = arith.subf %get3A_11, %sub3A : vector<1x2048xf32>
    %exp3A = math.exp %sub3A_12 : vector<1x2048xf32>
    %mul3A = arith.mulf %get3A_8, %exp3A : vector<1x2048xf32>
    %reduce_sum3A = vector.shape_cast %mul3A : vector<1x2048xf32> to vector<1x1x2048xf32>
    %reduce_sum3A_13 = arith.constant dense<0.000000e+00> : vector<1xf32>
    %reduce_sum3A_14 = vector.multi_reduction <add>, %reduce_sum3A, %reduce_sum3A_13 [1, 2] : vector<1x1x2048xf32> to vector<1xf32>
    %reduce_sum3A_15 = vector.shape_cast %reduce_sum3A_14 : vector<1xf32> to vector<1x1x1xf32>
    %reduce_sum3A_16 = vector.extract %reduce_sum3A_15[0, 0, 0] : f32 from vector<1x1x1xf32>
    %get3A_17 = arith.constant 0 : index
    %get3A_18 = vector.load %arg2[%get3A_17] : memref<32xf32, #tpu.memory_space<vmem>>, vector<32xf32>
    %reshape3A = vector.shape_cast %get3A_18 : vector<32xf32> to vector<1x32xf32>
    %sub3A_19 = vector.broadcast %reduce_max3A_5 : f32 to vector<1x32xf32>
    %sub3A_20 = arith.subf %reshape3A, %sub3A_19 : vector<1x32xf32>
    %exp3A_21 = math.exp %sub3A_20 : vector<1x32xf32>
    %div3A = vector.broadcast %reduce_sum3A_16 : f32 to vector<1x32xf32>
    %div3A_22 = arith.divf %exp3A_21, %div3A : vector<1x32xf32>
    %reduce_sum3A_23 = vector.shape_cast %div3A_22 : vector<1x32xf32> to vector<1x1x32xf32>
    %reduce_sum3A_24 = arith.constant dense<0.000000e+00> : vector<1xf32>
    %reduce_sum3A_25 = vector.multi_reduction <add>, %reduce_sum3A_23, %reduce_sum3A_24 [1, 2] : vector<1x1x32xf32> to vector<1xf32>
    %reduce_sum3A_26 = vector.shape_cast %reduce_sum3A_25 : vector<1xf32> to vector<1x1x1xf32>
    %reduce_sum3A_27 = vector.extract %reduce_sum3A_26[0, 0, 0] : f32 from vector<1x1x1xf32>
    %get3A_28 = arith.constant 0 : index
    %get3A_29 = arith.constant 0 : index
    %get3A_30 = vector.load %arg3[%get3A_28, %get3A_29] : memref<32x768xf32, #tpu.memory_space<vmem>>, vector<32x768xf32>
    %dot_general3A = arith.constant dense<0.000000e+00> : vector<1x768xf32>
    %dot_general3A_31 = tpu.matmul %div3A_22, %get3A_30, %dot_general3A {dimension_numbers = #tpu.dot_dimension_numbers<[1], [0], [0], [1], [0, 0, 1, 1], [], []>, transpose_lhs_hint = false} : vector<1x32xf32>, vector<32x768xf32>, vector<1x768xf32> -> vector<1x768xf32>
    %get3A_32 = arith.constant 0 : index
    %get3A_33 = arith.constant 0 : index
    %get3A_34 = vector.load %arg4[%get3A_32, %get3A_33] : memref<768x256xf32, #tpu.memory_space<vmem>>, vector<768x256xf32>
    %dot_general3A_35 = arith.constant dense<0.000000e+00> : vector<1x256xf32>
    %dot_general3A_36 = tpu.matmul %dot_general3A_31, %get3A_34, %dot_general3A_35 {dimension_numbers = #tpu.dot_dimension_numbers<[1], [0], [0], [1], [0, 0, 1, 1], [], []>, transpose_lhs_hint = false} : vector<1x768xf32>, vector<768x256xf32>, vector<1x256xf32> -> vector<1x256xf32>
    %get3A_37 = arith.constant 0 : index
    %get3A_38 = vector.load %arg5[%get3A_37] : memref<256xf32, #tpu.memory_space<vmem>>, vector<256xf32>
    %reshape3A_39 = vector.shape_cast %get3A_38 : vector<256xf32> to vector<1x256xf32>
    %mul3A_40 = vector.broadcast %reduce_sum3A_27 : f32 to vector<1x256xf32>
    %mul3A_41 = arith.mulf %mul3A_40, %reshape3A_39 : vector<1x256xf32>
    %add3A = arith.addf %dot_general3A_36, %mul3A_41 : vector<1x256xf32>
    %get3A_42 = arith.constant 0 : index
    %get3A_43 = arith.constant 0 : index
    %get3A_44 = vector.load %arg6[%get3A_42, %get3A_43] : memref<256x768xf32, #tpu.memory_space<vmem>>, vector<256x768xf32>
    %dot_general3A_45 = arith.constant dense<0.000000e+00> : vector<1x768xf32>
    %dot_general3A_46 = tpu.matmul %add3A, %get3A_44, %dot_general3A_45 {dimension_numbers = #tpu.dot_dimension_numbers<[1], [0], [0], [1], [0, 0, 1, 1], [], []>, transpose_lhs_hint = false} : vector<1x256xf32>, vector<256x768xf32>, vector<1x768xf32> -> vector<1x768xf32>
    %get3A_47 = arith.constant 0 : index
    %get3A_48 = vector.load %arg7[%get3A_47] : memref<768xf32, #tpu.memory_space<vmem>>, vector<768xf32>
    %reshape3A_49 = vector.shape_cast %get3A_48 : vector<768xf32> to vector<1x768xf32>
    %add3A_50 = arith.addf %dot_general3A_46, %reshape3A_49 : vector<1x768xf32>
    %reshape3A_51 = vector.shape_cast %add3A_50 : vector<1x768xf32> to vector<768xf32>
    %swap3A = arith.constant 0 : index
    %swap3A_52 = vector.load %arg8[%swap3A] : memref<768xf32, #tpu.memory_space<vmem>>, vector<768xf32>
    tpu.vector_store %arg8[%swap3A], %reshape3A_51 {strides = array<i32>} : memref<768xf32, #tpu.memory_space<vmem>>, vector<768xf32>,
    return
  }
}

module attributes {stable_mosaic.version = 14 : i64} {
  func.func @_logits_body(%arg0: i32, %arg1: memref<768xf32, #tpu.memory_space<vmem>>, %arg2: memref<768x256xf32, #tpu.memory_space<vmem>>, %arg3: memref<256xf32, #tpu.memory_space<vmem>>, %arg4: memref<768x256xf32, #tpu.memory_space<vmem>>, %arg5: memref<2048x768xf32, #tpu.memory_space<vmem>>, %arg6: memref<2048xf32, #tpu.memory_space<vmem>>, %arg7: memref<1x2048xf32, #tpu.memory_space<vmem>>, %arg8: memref<1x2048xf32, #tpu.memory_space<vmem>>, %arg9: memref<1x768xf32, #tpu.memory_space<vmem>>) attributes {dimension_semantics = [#tpu.dimension_semantics<arbitrary>], iteration_bounds = array<i64: 4>, scalar_prefetch = 0 : i64, scratch_operands = 1 : i64, tpu.core_type = #tpu.core_type<tc>, window_params = [{pipeline_mode = #tpu.pipeline_mode<synchronous>, transform_indices = @transform_0, window_bounds = array<i64: 768>}, {pipeline_mode = #tpu.pipeline_mode<synchronous>, transform_indices = @transform_1, window_bounds = array<i64: 768, 256>}, {pipeline_mode = #tpu.pipeline_mode<synchronous>, transform_indices = @transform_2, window_bounds = array<i64: 256>}, {pipeline_mode = #tpu.pipeline_mode<synchronous>, transform_indices = @transform_3, window_bounds = array<i64: 768, 256>}, {transform_indices = @transform_4, window_bounds = array<i64: 2048, 768>}, {transform_indices = @transform_5, window_bounds = array<i64: 2048>}, {pipeline_mode = #tpu.pipeline_mode<synchronous>, transform_indices = @transform_6, window_bounds = array<i64: 1, 2048>}, {pipeline_mode = #tpu.pipeline_mode<synchronous>, transform_indices = @transform_7, window_bounds = array<i64: 1, 2048>}]} {
    %eq3A = arith.constant 0 : i32
    %eq3A_0 = arith.cmpi eq, %arg0, %eq3A : i32
    %convert_element_type3A = arith.extui %eq3A_0 : i1 to i32
    %cond3A = arith.constant 0 : i32
    %cond3A_1 = arith.cmpi ne, %convert_element_type3A, %cond3A : i32
    scf.if %cond3A_1 {
      %get3A_18 = arith.constant 0 : index
      %get3A_19 = vector.load %arg1[%get3A_18] : memref<768xf32, #tpu.memory_space<vmem>>, vector<768xf32>
      %reshape3A_20 = vector.shape_cast %get3A_19 : vector<768xf32> to vector<1x768xf32>
      %get3A_21 = arith.constant 0 : index
      %get3A_22 = vector.load %arg3[%get3A_21] : memref<256xf32, #tpu.memory_space<vmem>>, vector<256xf32>
      %reshape3A_23 = vector.shape_cast %get3A_22 : vector<256xf32> to vector<1x256xf32>
      %get3A_24 = arith.constant 0 : index
      %get3A_25 = arith.constant 0 : index
      %get3A_26 = vector.load %arg2[%get3A_24, %get3A_25] : memref<768x256xf32, #tpu.memory_space<vmem>>, vector<768x256xf32>
      %dot_general3A_27 = arith.constant dense<0.000000e+00> : vector<1x256xf32>
      %dot_general3A_28 = tpu.matmul %reshape3A_20, %get3A_26, %dot_general3A_27 {dimension_numbers = #tpu.dot_dimension_numbers<[1], [0], [0], [1], [0, 0, 1, 1], [], []>, precision = #tpu.contract_precision<fp32>, transpose_lhs_hint = false} : vector<1x768xf32>, vector<768x256xf32>, vector<1x256xf32> -> vector<1x256xf32>
      %add3A = arith.addf %dot_general3A_28, %reshape3A_23 : vector<1x256xf32>
      %get3A_29 = arith.constant 0 : index
      %get3A_30 = arith.constant 0 : index
      %get3A_31 = vector.load %arg4[%get3A_29, %get3A_30] : memref<768x256xf32, #tpu.memory_space<vmem>>, vector<768x256xf32>
      %dot_general3A_32 = arith.constant dense<0.000000e+00> : vector<1x768xf32>
      %dot_general3A_33 = tpu.matmul %add3A, %get3A_31, %dot_general3A_32 {dimension_numbers = #tpu.dot_dimension_numbers<[1], [1], [0], [0], [0, 0, 1, 0], [], []>, precision = #tpu.contract_precision<fp32>, transpose_lhs_hint = false} : vector<1x256xf32>, vector<768x256xf32>, vector<1x768xf32> -> vector<1x768xf32>
      %mul3A = arith.constant 6.250000e-02 : f32
      %mul3A_34 = vector.broadcast %mul3A : f32 to vector<1x768xf32>
      %mul3A_35 = arith.mulf %dot_general3A_33, %mul3A_34 : vector<1x768xf32>
      %swap3A_36 = arith.constant 0 : index
      %swap3A_37 = arith.constant 0 : index
      %swap3A_38 = vector.load %arg9[%swap3A_36, %swap3A_37] : memref<1x768xf32, #tpu.memory_space<vmem>>, vector<1x768xf32>
      tpu.vector_store %arg9[%swap3A_36, %swap3A_37], %mul3A_35 {strides = array<i32>} : memref<1x768xf32, #tpu.memory_space<vmem>>, vector<1x768xf32>,
    } else {
    }
    %get3A = arith.constant 0 : index
    %get3A_2 = arith.constant 0 : index
    %get3A_3 = vector.load %arg9[%get3A, %get3A_2] : memref<1x768xf32, #tpu.memory_space<vmem>>, vector<1x768xf32>
    %get3A_4 = arith.constant 0 : index
    %get3A_5 = arith.constant 0 : index
    %get3A_6 = vector.load %arg5[%get3A_4, %get3A_5] : memref<2048x768xf32, #tpu.memory_space<vmem>>, vector<2048x768xf32>
    %dot_general3A = arith.constant dense<0.000000e+00> : vector<1x2048xf32>
    %dot_general3A_7 = tpu.matmul %get3A_3, %get3A_6, %dot_general3A {dimension_numbers = #tpu.dot_dimension_numbers<[1], [1], [0], [0], [0, 0, 1, 0], [], []>, transpose_lhs_hint = false} : vector<1x768xf32>, vector<2048x768xf32>, vector<1x2048xf32> -> vector<1x2048xf32>
    %reshape3A = vector.shape_cast %dot_general3A_7 : vector<1x2048xf32> to vector<2048xf32>
    %swap3A = arith.constant 0 : index
    %swap3A_8 = vector.load %arg6[%swap3A] : memref<2048xf32, #tpu.memory_space<vmem>>, vector<2048xf32>
    tpu.vector_store %arg6[%swap3A], %reshape3A {strides = array<i32>} : memref<2048xf32, #tpu.memory_space<vmem>>, vector<2048xf32>,
    %eq3A_9 = arith.constant 0 : i32
    %eq3A_10 = arith.cmpi eq, %arg0, %eq3A_9 : i32
    %convert_element_type3A_11 = arith.extui %eq3A_10 : i1 to i32
    %cond3A_12 = arith.constant 0 : i32
    %cond3A_13 = arith.cmpi ne, %convert_element_type3A_11, %cond3A_12 : i32
    scf.if %cond3A_13 {
      %swap3A_18 = arith.constant 0 : index
      %swap3A_19 = arith.constant 0 : index
      %swap3A_20 = vector.load %arg7[%swap3A_18, %swap3A_19] : memref<1x2048xf32, #tpu.memory_space<vmem>>, vector<1x2048xf32>
      tpu.vector_store %arg7[%swap3A_18, %swap3A_19], %dot_general3A_7 {strides = array<i32>} : memref<1x2048xf32, #tpu.memory_space<vmem>>, vector<1x2048xf32>,
      %broadcast_in_dim3A = arith.constant 1.000000e+00 : f32
      %broadcast_in_dim3A_21 = vector.broadcast %broadcast_in_dim3A : f32 to vector<1x2048xf32>
      %swap3A_22 = arith.constant 0 : index
      %swap3A_23 = arith.constant 0 : index
      %swap3A_24 = vector.load %arg8[%swap3A_22, %swap3A_23] : memref<1x2048xf32, #tpu.memory_space<vmem>>, vector<1x2048xf32>
      tpu.vector_store %arg8[%swap3A_22, %swap3A_23], %broadcast_in_dim3A_21 {strides = array<i32>} : memref<1x2048xf32, #tpu.memory_space<vmem>>, vector<1x2048xf32>,
    } else {
    }
    %gt3A = arith.constant 0 : i32
    %gt3A_14 = arith.cmpi sgt, %arg0, %gt3A : i32
    %convert_element_type3A_15 = arith.extui %gt3A_14 : i1 to i32
    %cond3A_16 = arith.constant 0 : i32
    %cond3A_17 = arith.cmpi ne, %convert_element_type3A_15, %cond3A_16 : i32
    scf.if %cond3A_17 {
      %get3A_18 = arith.constant 0 : index
      %get3A_19 = arith.constant 0 : index
      %get3A_20 = vector.load %arg7[%get3A_18, %get3A_19] : memref<1x2048xf32, #tpu.memory_space<vmem>>, vector<1x2048xf32>
      %max3A = arith.maximumf %get3A_20, %dot_general3A_7 : vector<1x2048xf32>
      %get3A_21 = arith.constant 0 : index
      %get3A_22 = arith.constant 0 : index
      %get3A_23 = vector.load %arg8[%get3A_21, %get3A_22] : memref<1x2048xf32, #tpu.memory_space<vmem>>, vector<1x2048xf32>
      %get3A_24 = arith.constant 0 : index
      %get3A_25 = arith.constant 0 : index
      %get3A_26 = vector.load %arg7[%get3A_24, %get3A_25] : memref<1x2048xf32, #tpu.memory_space<vmem>>, vector<1x2048xf32>
      %sub3A = arith.subf %get3A_26, %max3A : vector<1x2048xf32>
      %exp3A = math.exp %sub3A : vector<1x2048xf32>
      %mul3A = arith.mulf %get3A_23, %exp3A : vector<1x2048xf32>
      %sub3A_27 = arith.subf %dot_general3A_7, %max3A : vector<1x2048xf32>
      %exp3A_28 = math.exp %sub3A_27 : vector<1x2048xf32>
      %add3A = arith.addf %mul3A, %exp3A_28 : vector<1x2048xf32>
      %swap3A_29 = arith.constant 0 : index
      %swap3A_30 = arith.constant 0 : index
      %swap3A_31 = vector.load %arg8[%swap3A_29, %swap3A_30] : memref<1x2048xf32, #tpu.memory_space<vmem>>, vector<1x2048xf32>
      tpu.vector_store %arg8[%swap3A_29, %swap3A_30], %add3A {strides = array<i32>} : memref<1x2048xf32, #tpu.memory_space<vmem>>, vector<1x2048xf32>,
      %swap3A_32 = arith.constant 0 : index
      %swap3A_33 = arith.constant 0 : index
      %swap3A_34 = vector.load %arg7[%swap3A_32, %swap3A_33] : memref<1x2048xf32, #tpu.memory_space<vmem>>, vector<1x2048xf32>
      tpu.vector_store %arg7[%swap3A_32, %swap3A_33], %max3A {strides = array<i32>} : memref<1x2048xf32, #tpu.memory_space<vmem>>, vector<1x2048xf32>,
    } else {
    }
    return
  }
  func.func @transform_0(%arg0: i32) -> i32 {
    %c0_i32 = arith.constant 0 : i32
    %c0_i32_0 = arith.constant 0 : i32
    return %c0_i32 : i32
  }
  func.func @transform_1(%arg0: i32) -> (i32, i32) {
    %c0_i32 = arith.constant 0 : i32
    %c0_i32_0 = arith.constant 0 : i32
    %c0_i32_1 = arith.constant 0 : i32
    return %c0_i32, %c0_i32_0 : i32, i32
  }
  func.func @transform_2(%arg0: i32) -> i32 {
    %c0_i32 = arith.constant 0 : i32
    %c0_i32_0 = arith.constant 0 : i32
    return %c0_i32 : i32
  }
  func.func @transform_3(%arg0: i32) -> (i32, i32) {
    %c0_i32 = arith.constant 0 : i32
    %c0_i32_0 = arith.constant 0 : i32
    %c0_i32_1 = arith.constant 0 : i32
    return %c0_i32, %c0_i32_0 : i32, i32
  }
  func.func @transform_4(%arg0: i32) -> (i32, i32) {
    %c0_i32 = arith.constant 0 : i32
    %c0_i32_0 = arith.constant 0 : i32
    return %arg0, %c0_i32 : i32, i32
  }
  func.func @transform_5(%arg0: i32) -> i32 {
    %c0_i32 = arith.constant 0 : i32
    return %arg0 : i32
  }
  func.func @transform_6(%arg0: i32) -> (i32, i32) {
    %c0_i32 = arith.constant 0 : i32
    %c0_i32_0 = arith.constant 0 : i32
    %c0_i32_1 = arith.constant 0 : i32
    return %c0_i32, %c0_i32_0 : i32, i32
  }
  func.func @transform_7(%arg0: i32) -> (i32, i32) {
    %c0_i32 = arith.constant 0 : i32
    %c0_i32_0 = arith.constant 0 : i32
    %c0_i32_1 = arith.constant 0 : i32
    return %c0_i32, %c0_i32_0 : i32, i32
  }
}

</mosaic_0001>

<sc_bundles>
// kernel: kernel.5.cloned.1.call-start
scs
__scs_entry_jumppad:
0x0: {  	(pc) =	sbr.rel $0x88, $3  }
0x1: {  	(tag) =	ssettag $0x0;
	lr =	simm.s32 $0x1  }
0x2: {  	[smem:$0x3F98] =	sst lr;
	_ =	strace $0xD0000000  }
0x3: {  	_ = 	snop  }
0x4: {  	_ = 	snop  }
0x5: {  	_ = 	snop  }
0x6: {  	_ = 	snop  }
0x7: {  	_ = 	snop  }
__scs_overlays_trampoline_lowered:
0x8: {  	[smem:$0x3FA7] =	sst s0  }
0x9: {  	[smem:$0x3FA8] =	sst s1  }
0xa: {  	[smem:$0x3FA9] =	sst s2  }
0xb: {  	[smem:$0x3FAA] =	sst s3  }
0xc: {  	[smem:$0x3FAB] =	sst s4  }
0xd: {  	[smem:$0x3FAC] =	sst s5  }
0xe: {  	[smem:$0x3FAD] =	sst s6  }
0xf: {  	[smem:$0x3FAE] =	sst s7  }
0x10: {  	[smem:$0x3FAF] =	sst s8  }
0x11: {  	[smem:$0x3FB0] =	sst s9;
	s0 =	simm.s32 @!p0 $0x0  }
0x12: {  	s1 =	sld [smem:$0x3F96];
	s0 =	simm.s32 @p0 $0x1  }
0x13: {  	[smem:$0x3FB1] =	sst s0;
	s0 =	simm.s32 @!p1 $0x0  }
0x14: {  	s2 =	sld [smem:$0x3F95];
	s0 =	simm.s32 @p1 $0x1  }
0x15: {  	[smem:$0x3FB2] =	sst s0;
	s0 =	simm.s32 @!p2 $0x0  }
0x16: {  	s3 =	sld [smem:$0x3FDB];
	s0 =	simm.s32 @p2 $0x1  }
0x17: {  	s4 =	simm.s32 $0x1BF5;
	[smem:$0x3FB4] =	sst s0  }
0x18: {  	s0 =	sld [smem:$0x3F97];
	_ =	swait.ge [sflag:s4], $0x0  }
0x19: {  	s7 =	sld [smem:$0x3F98]  }
0x1a: {  	s8 =	sadd.s32 $0xFFFFE003, lr  }
0x1b: {  	s9 =	sadd.s32 $0xFFFFFEF7, lr;
	s5 =	simm.s32 $0xFFFFFFFF;
	p2 =	slt.u32 s8, $0xFFFFF086  }
0x1c: {  	p1 =	slt.u32 s9, $0xF7A;
	s5 =	simm.s32 @!p2 $0x0  }
0x1d: {  	s5 =	simm.s32 @p1 $0x1;
	p0 =	seq.s32 s7, s2  }
0x1e: {  	s7 =	smul.u32 @!p0 $0xF7A, s2;
	p2 =	seq.s32 @!p0 s5, $0x0  }
0x1f: {  	s9 =	smul.u32 $0xF7A, s1;
	s8 =	simm.s32 @!p0 $0x1BF5;
	p2 =	por !p2, p0  }
0x20: {  	[sflag:s8] =	ssyncset.s32 @!p0 $0xFFFFF086;
	s6 =	sadd.s32 @!p0 s3, s7;
	s7 =	simm.s32 @!p0 $0x108  }
0x21: {  	s3 =	sadd.s32 s3, s9;
	s6 =	sadd.s32 @!p0 $0x88, s6;
	s7 =	simm.s32 @p2 $0x1082  }
0x22: {  	[simem:s7], [sflag:s8] =	dma.local @!p0 [hbm:s6], $0xF7A  }
0x23: {  	s9 =	sor.u32 $0xD0000000, s2;
	s6 =	simm.s32 $0x108;
	_ =	swait.ge @!p0 [sflag:s8], $0x0  }
0x24: {  	s3 =	sadd.s32 $0x88, s3;
	s6 =	simm.s32 @!p1 $0x1082;
	[sflag:s4] =	ssyncset.s32 $0xFFFFF086  }
0x25: {  	[simem:s6], [sflag:s4] =	dma.local [hbm:s3], $0xF7A  }
0x26: {  	[smem:$0x3F98] =	sst s1;
	(tag) =	ssettag s2;
	_ =	strace s9  }
0x27: {  	s1 =	sld [smem:$0x3FA8]  }
0x28: {  	s2 =	sld [smem:$0x3FA9]  }
0x29: {  	s4 =	sld [smem:$0x3FAB]  }
0x2a: {  	p0 =	seq.s32 s5, $0x0;
	s5 =	sld [smem:$0x3FAC]  }
0x2b: {  	s6 =	sld [smem:$0x3FAD]  }
0x2c: {  	s7 =	sld [smem:$0x3FAE]  }
0x2d: {  	s3 =	simm.s32 $0x108;
	s8 =	sld [smem:$0x3FAF]  }
0x2e: {  	s3 =	simm.s32 @!p0 $0x1082;
	s9 =	sld [smem:$0x3FB0]  }
0x2f: {  	lr =	sadd.s32 s0, s3;
	s0 =	sld [smem:$0x3FA7]  }
0x30: {  	s3 =	sld [smem:$0x3FAA]  }
0x31: {  	[smem:$0x3FB3] =	sst s10  }
0x32: {  	s10 =	sld [smem:$0x3FB1];
	_ =	sdelay $0x3  }
0x33: {  	p0 =	seq.s32 s10, $0x1;
	s10 =	sld [smem:$0x3FB3];
	_ =	sdelay $0x3  }
0x34: {  	[smem:$0x3FB3] =	sst s10  }
0x35: {  	s10 =	sld [smem:$0x3FB2];
	_ =	sdelay $0x3  }
0x36: {  	p1 =	seq.s32 s10, $0x1;
	s10 =	sld [smem:$0x3FB3];
	_ =	sdelay $0x3  }
0x37: {  	[smem:$0x3FB3] =	sst s10  }
0x38: {  	s10 =	sld [smem:$0x3FB4]  }
0x39: {  	_ = 	snop;
	(pc) =	sbr.ind lr, $3  }
0x3a: {  	_ = 	snop  }
0x3b: {  	_ = 	snop  }
0x3c: {  	p2 =	seq.s32 s10, $0x1;
	s10 =	sld [smem:$0x3FB3]  }
0x3d: {  	_ =	shalt  }
0x3e: {  	_ =	shalt  }
0x3f: {  	_ =	shalt  }
0x40: {  	_ =	shalt  }
0x41: {  	_ =	shalt  }
0x42: {  	_ =	shalt  }
0x43: {  	_ =	shalt  }
0x44: {  	_ =	shalt  }
0x45: {  	_ =	shalt  }
0x46: {  	_ =	shalt  }
0x47: {  	_ =	shalt  }
0x48: {  	_ =	shalt  }
0x49: {  	_ =	shalt  }
0x4a: {  	_ =	shalt  }
0x4b: {  	_ =	shalt  }
0x4c: {  	_ =	shalt  }
0x4d: {  	_ =	shalt  }
0x4e: {  	_ =	shalt  }
0x4f: {  	_ =	shalt  }
0x50: {  	_ =	shalt  }
0x51: {  	_ =	shalt  }
0x52: {  	_ =	shalt  }
0x53: {  	_ =	shalt  }
0x54: {  	_ =	shalt  }
0x55: {  	_ =	shalt  }
0x56: {  	_ =	shalt  }
0x57: {  	_ =	shalt  }
0x58: {  	_ =	shalt  }
0x59: {  	_ =	shalt  }
0x5a: {  	_ =	shalt  }
0x5b: {  	_ =	shalt  }
0x5c: {  	_ =	shalt  }
0x5d: {  	_ =	shalt  }
0x5e: {  	_ =	shalt  }
0x5f: {  	_ =	shalt  }
0x60: {  	_ =	shalt  }
0x61: {  	_ =	shalt  }
0x62: {  	_ =	shalt  }
0x63: {  	_ =	shalt  }
0x64: {  	_ =	shalt  }
0x65: {  	_ =	shalt  }
0x66: {  	_ =	shalt  }
0x67: {  	_ =	shalt  }
0x68: {  	_ =	shalt  }
0x69: {  	_ =	shalt  }
0x6a: {  	_ =	shalt  }
0x6b: {  	_ =	shalt  }
0x6c: {  	_ =	shalt  }
0x6d: {  	_ =	shalt  }
0x6e: {  	_ =	shalt  }
0x6f: {  	_ =	shalt  }
0x70: {  	_ =	shalt  }
0x71: {  	_ =	shalt  }
0x72: {  	_ =	shalt  }
0x73: {  	_ =	shalt  }
0x74: {  	_ =	shalt  }
0x75: {  	_ =	shalt  }
0x76: {  	_ =	shalt  }
0x77: {  	_ =	shalt  }
0x78: {  	_ =	shalt  }
0x79: {  	_ =	shalt  }
0x7a: {  	_ =	shalt  }
0x7b: {  	_ =	shalt  }
0x7c: {  	_ =	shalt  }
0x7d: {  	_ =	shalt  }
0x7e: {  	_ =	shalt  }
0x7f: {  	_ =	shalt  }
0x80: {  	_ =	shalt  }
0x81: {  	_ =	shalt  }
0x82: {  	_ =	shalt  }
0x83: {  	_ =	shalt  }
0x84: {  	_ =	shalt  }
0x85: {  	_ =	shalt  }
0x86: {  	_ =	shalt  }
0x87: {  	_ =	shalt  }
.Lfunc_end0:
.L_simem_size_0:
called_computation_lowered:
.L_overlay_start_0:
0x88: {  	s2 =	sld [smem:$0x3FD9]  }
0x89: {  	s3 =	sld [smem:$0x3FFE];
	_ =	sdelay $0x1  }
0x8a: {  	s1 =	srdreg.scid  }
0x8b: {  	s0 =	sand.u32 $0x1, s1  }
0x8c: {  	s17 =	sshll.u32 s0, $0xA;
	s2 =	sadd.s32 s3, s2  }
0x8d: {  	s2 =	sadd.s32 s2, s17  }
0x8e: {  	[smem:$0x3FBF] =	sst s2  }
0x8f: {  	_ = 	snop  }
0x90: {  	s2 =	sld [smem:$0x3FC8]  }
0x91: {  	s18 =	sld [smem:$0x3FD0];
	(tm) =	ssettm $0x1  }
0x92: {  	s4 =	sld [smem:$0x3FFB];
	_ =	sdelay $0x3  }
0x93: {  	_ =	strace s4  }
0x94: {  	s4 =	sld [smem:$0x3FFC];
	_ =	sdelay $0x3  }
0x95: {  	_ =	strace s4  }
0x96: {  	s4 =	sld [smem:$0x3FFD];
	_ =	sdelay $0x3  }
0x97: {  	_ =	strace s4  }
0x98: {  	_ =	strace $0x8FFFFFFF  }
0x99: {  	s19 =	sld [smem:$0x3FDB];
	_ =	sdelay $0x1  }
0x9a: {  	s5 =	simm.s32 $_scs_section_size  }
0x9b: {  	s6 =	simm.s32 $_size__tile_overlayer_lowered;
	s7 =	simm.s32 $_tile_overlayer_lowered  }
0x9c: {  	s22 =	simm.s32 $0x1BFF;
	s21 =	sshll.u32 s7, $0x1;
	s4 =	sadd.s32 s5, s19  }
0x9d: {  	s8 =	simm.s32 $0x0;
	s20 =	sshll.u32 s6, $0x1;
	s6 =	sadd.s32 s21, s4  }
0x9e: {  	[timem:s8], [sflag:s22] =	dma.local [hbm:s6], s20  }
0x9f: {  	_ =	swait.ge [sflag:s22], s20  }
0xa0: {  	s5 =	ssub.s32 $0x0, s20;
	[sflag:s22] =	ssyncset.done $0x0  }
0xa1: {  	[sflag:s22] =	ssyncadd.s32 s5;
	_ =	sdelay $0x1  }
0xa2: {  	s23 =	simm.s32 $0x1B8B  }
0xa3: {  	_ =	swait.ge [sflag:s23], $0x1  }
0xa4: {  	[sflag:s23] =	ssyncset.done $0x0  }
0xa5: {  	s25 =	simm.s32 $0x1B8E;
	s24 =	sld [smem:$0x3FFE];
	[sflag:s23] =	ssyncadd.s32 $0xFFFFFFFF  }
0xa6: {  	s26 =	simm.s32 $execute0_lowered;
	[smem:$0x3FD2] =	sst s25  }
0xa7: {  	s6 =	sshll.u32 s26, $0x1;
	_ =	strace $0x80000046;
	[dreg:$0x1] =	wrdreg $0xFFFFFFFF  }
0xa8: {  	s28 =	simm.s32 $_size_execute0_lowered;
	s4 =	sadd.s32 s4, s6;
	[dreg:$0x0] =	wrdreg $0x0  }
0xa9: {  	s6 =	sshll.u32 s28, $0x1;
	[dreg:$0x2] =	wrdreg s4  }
0xaa: {  	[dreg:$0x3] =	wrdreg s6  }
0xab: {  	[dreg:$0x4] =	wrdreg $0xC0  }
0xac: {  	_ =	task [dreg:s8], $0x5FFFF  }
0xad: {  	[dreg:$0x1] =	wrdreg $0xFFFFFFFF  }
0xae: {  	[dreg:$0x0] =	wrdreg $0x60  }
0xaf: {  	[dreg:$0x2] =	wrdreg s24  }
0xb0: {  	[dreg:$0x3] =	wrdreg s2  }
0xb1: {  	[dreg:$0x4] =	wrdreg s18  }
0xb2: {  	[dreg:$0x5] =	wrdreg $0x2000  }
0xb3: {  	[dreg:$0x6] =	wrdreg $0x2200  }
0xb4: {  	[dreg:$0x7] =	wrdreg $0x9  }
0xb5: {  	_ =	task.clear_ibuf [dreg:s8], $0x8FFFF;
	_ =	strace $0x90000046  }
0xb6: {  	s29 =	simm.s32 $0x9;
	_ =	strace $0x80000048  }
0xb7: {  	_ =	swait.ge [sflag:s29], $0x1  }
0xb8: {  	[sflag:s29] =	ssyncadd.s32 $0xFFFFFFFF  }
0xb9: {  	_ =	strace $0x90000048  }
0xba: {  	_ =	sfence  }
0xbb: {  	s30 =	sld [smem:$0x0];
	_ =	sdelay $0x2  }
0xbc: {  	s31 =	sshll.u32 s1, $0xD;
	s1 =	sshrl.u32 s1, $0x2  }
0xbd: {  	s3 =	sand.u32 $0x4000, s31;
	s1 =	sadd.s32 s1, s30  }
0xbe: {  	s0 =	sor.u32 s3, s0;
	s1 =	sshll.u32 s1, $0x11  }
0xbf: {  	s0 =	sor.u32 s1, s0  }
0xc0: {  	s0 =	sadd.s32 $0x8F2B, s0  }
0xc1: {  	[sflag:s0] =	ssyncadd.remote.s32 $0x1  }
0xc2: {  	_ =	sfence.sel $0xFFFF  }
0xc3: {  	[dreg:$0x0] =	wrdreg $0xFFFFFFFF;
	(pc) =	sbr.abs _section_cstart, $3  }
0xc4: {  	[dreg:$0x1] =	wrdreg $0xFFFFFFFF  }
0xc5: {  	_ =	task.clear_ibuf [dreg:s8], $0x2FFFF;
	_ =	strace $0x9FFFFFFF  }
0xc6: {  	(tm) =	ssettm $0x7FFFFFFF  }
0xc7: {  	_ =	shalt  }
tec
execute0_lowered:
.L_overlay_start_1:
0x0: {  	(tag) =	ssettag $0x1  }
0x1: {  	s5 =	rddreg [dreg:$0x0]  }
0x2: {  	s0 =	rddreg [dreg:$0x1];
	s1 =	srdreg.scid  }
0x3: {  	s8 =	rddreg [dreg:$0x2];
	s13 =	stileid.u32;
	v0 =	vimm.s32 $0xEFCDAB89  }
0x4: {  	s3 =	rddreg [dreg:$0x4];
	v1 =	vimm.s32 $0x67452301;
	v2 =	vimm.s32 $0xDCFE98BA;
	s12 =	simm.s32 $0x640;
	s14 =	simm.s32 $0x240  }
0x5: {  	v6 =	vimm.s32 $0x54761032;
	v7 =	vimm.s32 $0xBA98FEDC;
	s15 =	simm.s32 $0x440;
	s17 =	simm.s32 $0x840;
	s18 =	simm.s32 $0x1  }
0x6: {  	v8 =	vimm.s32 $0x32107654;
	v9 =	vimm.s32 $0xFEDCBA98;
	s19 =	simm.s32 $0x80;
	s20 =	simm.s32 $0x400;
	s21 =	simm.s32 $0x0  }
0x7: {  	v10 =	vimm.s32 $0x76543210;
	v12 =	vimm.s32 $0x0;
	vm0 =	vmxor vm0, vm0;
	s16 =	sand.u32 $0x1, s1;
	s1 =	rddreg [dreg:$0x3];
	s7 =	sshll.u32 s13, $0x9  }
0x8: {  	vm1 =	vmmov $0x3f;
	v3 =	vunpack.c.l.s4.s8 v0;
	s9 =	sshll.u32 s13, $0x7;
	v4 =	vunpack.c.l.s4.s8 v1;
	s26 =	sshll.u32 s13, $0x6;
	s30 =	sshll.u32 s13, $0x5  }
0x9: {  	v5 =	vunpack.c.l.s4.s8 v2;
	v1 =	vmov s13;
	v2 =	vlaneseq.u32;
	p0 =	sne.s32 s13, $0x0;
	s2 =	sshll.u32 s16, $0x4;
	s25 =	sand.u32 $0x380, s9  }
0xa: {  	v6 =	vunpack.c.l.s4.s8 v6;
	v7 =	vunpack.c.l.s4.s8 v7;
	v0 =	vmov s7;
	s28 =	ssub.s32 $0x2, s16;
	s7 =	sadd.s32 s26, s5;
	s4 =	sor.u32 s13, s2  }
0xb: {  	v8 =	vunpack.c.l.s4.s8 v8;
	v9 =	vunpack.c.l.s4.s8 v9;
	s31 =	sshll.u32 s16, $0x1;
	p2 =	seq.s32 @!p0 s16, $0x0;
	v3 =	vunpack.c.0.s8.s32 v3;
	s6 =	sshrl.u32 s4, $0x3  }
0xc: {  	p1 =	seq.s32 s16, $0x0;
	s16 =	simm.s32 $0x7C0;
	v4 =	vunpack.c.0.s8.s32 v4;
	v5 =	vunpack.c.0.s8.s32 v5;
	v6 =	vunpack.c.0.s8.s32 v6;
	s6 =	smul.u32 $0x1800, s6  }
0xd: {  	v10 =	vunpack.c.l.s4.s8 v10;
	s2 =	rddreg [dreg:$0x5];
	s29 =	sshrl.u32 s28, $0x1;
	v7 =	vunpack.c.0.s8.s32 v7;
	v8 =	vunpack.c.0.s8.s32 v8;
	s8 =	sadd.s32 s8, s31  }
0xe: {  	v11 =	vmul.u32 $0x20, v2;
	s13 =	simm.s32 $0x6C0;
	s4 =	simm.s32 $0x0;
	v4 =	vcombine.low v4, v3;
	v5 =	vcombine.low v6, v5;
	s6 =	sor.u32 s25, s6  }
0xf: {  	p2 =	por !p2, p0;
	[smem:$0x7FF] =	sst s4;
	v6 =	vunpack.c.0.s8.s32 v9;
	v7 =	vcombine.low v8, v7;
	v8 =	vunpack.c.0.s8.s32 v10;
	s6 =	sshrl.u32 s6, $0x3  }
0x10: {  	s11 =	ssub.s32 s28, s29;
	v3 =	vmul.u32 $0x10, v2;
	v10 =	vimm.f32 $-Inf;
	_ =	strace $0x80000047;
	v4 =	vand.u32 $0xF, v4;
	s10 =	sadd.s32 s6, s5  }
0x11: {  	v5 =	vand.u32 $0xF, v5;
	v9 =	vand.u32 $0xF, v6;
	v6 =	vand.u32 $0xF, v7;
	s5 =	sadd.s32 $0x2000, s7;
	s6 =	sadd.s32 s30, s1;
	s7 =	sadd.s32 s30, s3  }
0x12: {  	v7 =	vcombine.low v9, v8;
	v8 =	vor.u32 $0x100, v3;
	v9 =	vor.u32 $0x10, v2;
	s9 =	sadd.s32 $0x2400, s10;
	s10 =	smax.u32 s11, $0x1;
	s11 =	simm.s32 $0x2  }
.LBB2_1:
0x13: {  	[tilespmem:s4], [sflag:$0x2] =	stream.linear.gather [hbm4b:s5+s4], $0x200, $0x38;
	[tilespmem:$0xB40] =	vst v63  }
0x14: {  	s22 =	simm.s32 $0x0  }
0x15: {  	s23 =	simm.s32 $0x10;
	v13 =	vor.u32 s22, v2  }
0x16: {  	s24 =	simm.s32 $0x20;
	v14 =	vor.u32 s23, v2  }
0x17: {  	_ =	swait.ge [sflag:s11], $0x200;
	v15 =	vor.u32 s24, v2  }
0x18: {  	s25 =	simm.s32 $0x30;
	[sflag:s11] =	ssyncset.done $0x0  }
0x19: {  	s26 =	simm.s32 $0x40;
	v16 =	vor.u32 s25, v2;
	[sflag:s11] =	ssyncadd.s32 $0xFFFFFE00  }
0x1a: {  	s28 =	simm.s32 $0x50;
	v18 =	vor.u32 s26, v2;
	v17 =	vld.idx.msk [tilespmem:v13+s4+$0x0], $0xffff  }
0x1b: {  	s29 =	simm.s32 $0x60;
	v20 =	vor.u32 s28, v2;
	v19 =	vld.idx.msk [tilespmem:v14+s4+$0x0], $0xffff  }
0x1c: {  	v22 =	vor.u32 s29, v2;
	v21 =	vld.idx.msk [tilespmem:v15+s4+$0x0], $0xffff  }
0x1d: {  	s30 =	simm.s32 $0x70  }
0x1e: {  	v13 =	vld.idx.msk [tilespmem:v16+s4+$0x0], $0xffff;
	v16 =	vor.u32 s30, v2  }
0x1f: {  	v14 =	vld.idx.msk [tilespmem:v18+s4+$0x0], $0xffff;
	v17 =	vmax.f32 v10, v17  }
0x20: {  	s31 =	simm.s32 $0x80;
	s23 =	simm.s32 $0x8;
	s25 =	simm.s32 $0x90;
	v15 =	vld.idx.msk [tilespmem:v20+s4+$0x0], $0xffff;
	v20 =	vmax.f32 v17, v19  }
0x21: {  	s24 =	simm.s32 $0xB0;
	s22 =	simm.s32 $0x0;
	v18 =	vor.u32 s25, v2;
	s25 =	simm.s32 $0xA0;
	v19 =	vor.u32 s31, v2;
	v17 =	vld.idx.msk [tilespmem:v22+s4+$0x0], $0xffff;
	v20 =	vmax.f32 v20, v21  }
.LBB2_2:
0x22: {  	s23 =	sadd.s32 $0x4, s23  }
0x23: {  	v21 =	vor.u32 s25, v2;
	v20 =	vmax.f32 v20, v13;
	v13 =	vld.idx.msk [tilespmem:v16+s22+$0x0], $0xffff;
	p3 =	slt.u32 s23, $0x1C  }
.Ltmp0:
0x24: {  	v16 =	vor.u32 s24, v2;
	(pc) =	sbr.rel @p3 .LBB2_2-.Ltmp0, $4  }
0x25: {  	s22 =	simm.s32 $0x0;
	s24 =	sadd.s32 $0x40, s24  }
0x26: {  	s25 =	sadd.s32 $0xFFFFFFD0, s24;
	v20 =	vmax.f32 v20, v14;
	v14 =	vld.idx.msk [tilespmem:v19+s22+$0x0], $0xffff  }
0x27: {  	v19 =	vor.u32 s25, v2;
	s25 =	sadd.s32 $0xFFFFFFE0, s24;
	v20 =	vmax.f32 v20, v15;
	v15 =	vld.idx.msk [tilespmem:v18+s22+$0x0], $0xffff  }
0x28: {  	v18 =	vor.u32 s25, v2;
	s25 =	sadd.s32 $0xFFFFFFF0, s24;
	v20 =	vmax.f32 v20, v17;
	v17 =	vld.idx.msk [tilespmem:v21+s22+$0x0], $0xffff  }
0x29: {  	_ =	sdelay $0x1  }
0x2a: {  	v21 =	vor.u32 s25, v2  }
0x2b: {  	v22 =	vor.u32 s24, v2  }
0x2c: {  	v16 =	vld.idx.msk [tilespmem:v16+s22+$0x0], $0xffff  }
0x2d: {  	v13 =	vmax.f32 v20, v13;
	v19 =	vld.idx.msk [tilespmem:v19+s22+$0x0], $0xffff  }
0x2e: {  	v13 =	vmax.f32 v13, v14;
	v14 =	vld.idx.msk [tilespmem:v18+s22+$0x0], $0xffff  }
0x2f: {  	v13 =	vmax.f32 v13, v15;
	v15 =	vld.idx.msk [tilespmem:v21+s22+$0x0], $0xffff  }
0x30: {  	v13 =	vmax.f32 v13, v17;
	v55 =	vld.idx.msk [tilespmem:v22+s22+$0x0], $0xffff  }
0x31: {  	v13 =	vmax.f32 v13, v16  }
0x32: {  	v13 =	vmax.f32 v13, v19  }
0x33: {  	v13 =	vmax.f32 v13, v14  }
0x34: {  	v13 =	vmax.f32 v13, v15  }
0x35: {  	v13 =	vmax.f32 v13, v55  }
0x36: {  	v14 =	vperm.xlane v13, v4;
	_ =	sdelay $0x1  }
0x37: {  	v14 =	vmax.f32 v13, v14  }
0x38: {  	v15 =	vperm.xlane v14, v5;
	_ =	sdelay $0x1  }
0x39: {  	v14 =	vmax.f32 v14, v15  }
0x3a: {  	v15 =	vperm.xlane v14, v6;
	_ =	sdelay $0x1  }
0x3b: {  	v14 =	vmax.f32 v14, v15  }
0x3c: {  	v15 =	vperm.xlane v14, v7;
	_ =	sdelay $0x1  }
0x3d: {  	v14 =	vmax.f32 v14, v15  }
0x3e: {  	vm2 =	veq.f32 v13, v14  }
0x3f: {  	v15 =	vnsel vm2, $0x40000000, v2  }
0x40: {  	v56 =	vperm.xlane v15, v4;
	_ =	sdelay $0x1  }
0x41: {  	vm2 =	vlt.s32 v15, v56  }
0x42: {  	v15 =	vsel vm2, v15, v56  }
0x43: {  	v16 =	vperm.xlane v15, v5;
	_ =	sdelay $0x1  }
0x44: {  	vm2 =	vlt.s32 v15, v16  }
0x45: {  	v15 =	vsel vm2, v15, v16  }
0x46: {  	v16 =	vperm.xlane v15, v6;
	_ =	sdelay $0x1  }
0x47: {  	vm2 =	vlt.s32 v15, v16  }
0x48: {  	v15 =	vsel vm2, v15, v16  }
0x49: {  	v16 =	vperm.xlane v15, v7;
	_ =	sdelay $0x1  }
0x4a: {  	vm2 =	vlt.s32 v15, v16  }
0x4b: {  	v15 =	vsel vm2, v15, v16  }
0x4c: {  	v16 =	vadd.s32 v8, v15  }
0x4d: {  	v57 =	vadd.s32 v3, v15;
	_ =	sdelay $0x3  }
0x4e: {  	v16 =	vld.idx.msk [tilespmem:v16+s4+$0x0], $0xffff  }
0x4f: {  	v17 =	vld.idx.msk [tilespmem:v57+s4+$0x0], $0xffff;
	_ =	sdelay $0x3  }
0x50: {  	vm2 =	veq.f32 v16, v14  }
0x51: {  	vm3 =	veq.f32 v17, v14;
	v58 =	vnsel vm2, $0x40000000, v9  }
0x52: {  	v18 =	vsel vm3, v2, v58  }
0x53: {  	v59 =	vperm.xlane v18, v4;
	_ =	sdelay $0x1  }
0x54: {  	vm2 =	vlt.s32 v18, v59  }
0x55: {  	v18 =	vsel vm2, v18, v59  }
0x56: {  	v19 =	vperm.xlane v18, v5;
	_ =	sdelay $0x1  }
0x57: {  	vm2 =	vlt.s32 v18, v19  }
0x58: {  	v18 =	vsel vm2, v18, v19  }
0x59: {  	v19 =	vperm.xlane v18, v6;
	_ =	sdelay $0x1  }
0x5a: {  	vm2 =	vlt.s32 v18, v19  }
0x5b: {  	v18 =	vsel vm2, v18, v19  }
0x5c: {  	v19 =	vperm.xlane v18, v7;
	_ =	sdelay $0x1  }
0x5d: {  	vm2 =	vlt.s32 v18, v19  }
0x5e: {  	v18 =	vsel vm2, v18, v19  }
0x5f: {  	v60 =	vmax.f32 v17, v16;
	vm2 =	veq.s32 v18, v9  }
0x60: {  	vm3 =	veq.s32 v18, v2;
	v17 =	vsel vm2, v17, v60  }
0x61: {  	v16 =	vsel vm3, v16, v17  }
0x62: {  	v17 =	vperm.xlane v16, v4;
	_ =	sdelay $0x1  }
0x63: {  	v16 =	vmax.f32 v16, v17  }
0x64: {  	v17 =	vperm.xlane v16, v5  }
0x65: {  	v61 =	vmov s22  }
0x66: {  	v18 =	vshll.u32 v18, $0x4;
	v16 =	vmax.f32 v16, v17  }
0x67: {  	p3 =	por $0x1, $0x1;
	v62 =	vadd.s32 v15, v18;
	v63 =	vperm.xlane v16, v6  }
.Ltmp1:
0x68: {  	_ = 	snop;
	(pc) =	sbr.rel @!p3 .LBB2_5-.Ltmp1, $4  }
0x69: {  	v16 =	vmax.f32 v16, v63  }
0x6a: {  	[tilespmem:v61+s12+$0x0] =	vst.idx.msk $0x1, v14;
	v14 =	vadd.s32 v0, v62;
	v18 =	vperm.xlane v16, v7  }
0x6b: {  	[tilespmem:v61+s13+$0x0] =	vst.idx.msk $0x1, v14  }
0x6c: {  	s22 =	simm.s32 $0x1;
	vm2 =	veq.s32 v15, v2;
	[tilespmem:v62+s4+$0x0] =	vst.idx.msk $0x1, v10;
	v14 =	vmax.f32 v16, v18  }
.LBB2_4:
0x6d: {  	p3 =	sne.s32 s22, $0x1F;
	v13 =	vsel vm2, v14, v13;
	s23 =	smov.u32 s22;
	s22 =	sadd.s32 $0x1, s22  }
0x6e: {  	v14 =	vperm.xlane v13, v4;
	_ =	sdelay $0x1  }
0x6f: {  	v14 =	vmax.f32 v13, v14  }
0x70: {  	v15 =	vperm.xlane v14, v5;
	_ =	sdelay $0x1  }
0x71: {  	v14 =	vmax.f32 v14, v15  }
0x72: {  	v15 =	vperm.xlane v14, v6;
	_ =	sdelay $0x1  }
0x73: {  	v14 =	vmax.f32 v14, v15  }
0x74: {  	v15 =	vperm.xlane v14, v7;
	_ =	sdelay $0x1  }
0x75: {  	v14 =	vmax.f32 v14, v15  }
0x76: {  	vm2 =	veq.f32 v13, v14  }
0x77: {  	v15 =	vnsel vm2, $0x40000000, v2  }
0x78: {  	v16 =	vperm.xlane v15, v4;
	_ =	sdelay $0x1  }
0x79: {  	vm2 =	vlt.s32 v15, v16  }
0x7a: {  	v15 =	vsel vm2, v15, v16  }
0x7b: {  	v16 =	vperm.xlane v15, v5;
	_ =	sdelay $0x1  }
0x7c: {  	vm2 =	vlt.s32 v15, v16  }
0x7d: {  	v15 =	vsel vm2, v15, v16  }
0x7e: {  	v16 =	vperm.xlane v15, v6;
	_ =	sdelay $0x1  }
0x7f: {  	vm2 =	vlt.s32 v15, v16  }
0x80: {  	v15 =	vsel vm2, v15, v16  }
0x81: {  	v16 =	vperm.xlane v15, v7;
	_ =	sdelay $0x1  }
0x82: {  	vm2 =	vlt.s32 v15, v16  }
0x83: {  	v15 =	vsel vm2, v15, v16  }
0x84: {  	v16 =	vadd.s32 v3, v15;
	v17 =	vadd.s32 v8, v15;
	_ =	sdelay $0x1  }
0x85: {  	v18 =	vmov s23;
	_ =	sdelay $0x2  }
0x86: {  	v17 =	vld.idx.msk [tilespmem:v17+s4+$0x0], $0xffff  }
0x87: {  	v16 =	vld.idx.msk [tilespmem:v16+s4+$0x0], $0xffff  }
0x88: {  	[tilespmem:v18+s12+$0x0] =	vst.idx.msk $0x1, v14;
	_ =	sdelay $0x3  }
0x89: {  	vm2 =	veq.f32 v17, v14  }
0x8a: {  	vm3 =	veq.f32 v16, v14;
	v14 =	vnsel vm2, $0x40000000, v9;
	v19 =	vmax.f32 v16, v17  }
0x8b: {  	v14 =	vsel vm3, v2, v14  }
0x8c: {  	v20 =	vperm.xlane v14, v4;
	_ =	sdelay $0x1  }
0x8d: {  	vm2 =	vlt.s32 v14, v20  }
0x8e: {  	v14 =	vsel vm2, v14, v20  }
0x8f: {  	v20 =	vperm.xlane v14, v5;
	_ =	sdelay $0x1  }
0x90: {  	vm2 =	vlt.s32 v14, v20  }
0x91: {  	v14 =	vsel vm2, v14, v20  }
0x92: {  	v20 =	vperm.xlane v14, v6;
	_ =	sdelay $0x1  }
0x93: {  	vm2 =	vlt.s32 v14, v20  }
0x94: {  	v14 =	vsel vm2, v14, v20  }
0x95: {  	v20 =	vperm.xlane v14, v7;
	_ =	sdelay $0x1  }
0x96: {  	vm2 =	vlt.s32 v14, v20  }
0x97: {  	v14 =	vsel vm2, v14, v20  }
0x98: {  	v20 =	vshll.u32 v14, $0x4;
	vm2 =	veq.s32 v14, v9  }
0x99: {  	vm3 =	veq.s32 v14, v2;
	v20 =	vadd.s32 v15, v20;
	v14 =	vsel vm2, v16, v19  }
0x9a: {  	v16 =	vadd.s32 v0, v20;
	v14 =	vsel vm3, v17, v14  }
0x9b: {  	[tilespmem:v18+s13+$0x0] =	vst.idx.msk $0x1, v16;
	v16 =	vperm.xlane v14, v4;
	_ =	sdelay $0x1  }
0x9c: {  	v14 =	vmax.f32 v14, v16  }
0x9d: {  	[tilespmem:v20+s4+$0x0] =	vst.idx.msk $0x1, v10;
	v16 =	vperm.xlane v14, v5;
	_ =	sdelay $0x1  }
0x9e: {  	v14 =	vmax.f32 v14, v16  }
0x9f: {  	v16 =	vperm.xlane v14, v6  }
.Ltmp2:
0xa0: {  	(pc) =	sbr.rel @p3 .LBB2_4-.Ltmp2, $3  }
0xa1: {  	v14 =	vmax.f32 v14, v16  }
0xa2: {  	v16 =	vperm.xlane v14, v7;
	_ =	sdelay $0x1  }
0xa3: {  	vm2 =	veq.s32 v15, v2;
	v14 =	vmax.f32 v14, v16  }
.LBB2_5:
0xa4: {  	[spmem:s6] =	stream.linear.scatter [tilespmem:s12], [sflag:$0x2], $0x20, $0x38;
	[tilespmem:$0xB40] =	vst v63  }
0xa5: {  	_ =	swait.ge [sflag:s11], $0x20  }
0xa6: {  	[sflag:s11] =	ssyncset.done $0x0  }
0xa7: {  	[sflag:s11] =	ssyncadd.s32 $0xFFFFFFE0  }
0xa8: {  	[spmem:s7] =	stream.linear.scatter [tilespmem:s13], [sflag:$0x2], $0x20, $0x38;
	[tilespmem:$0xB40] =	vst v63  }
0xa9: {  	_ =	swait.ge [sflag:s11], $0x20  }
0xaa: {  	[sflag:s11] =	ssyncset.done $0x0  }
0xab: {  	[sflag:s11] =	ssyncadd.s32 $0xFFFFFFE0  }
0xac: {  	[bflag:$0x0] =	sbarrier.arrive $0xFFFF  }
0xad: {  	[tilespmem:s14], [sflag:$0x2] =	stream.linear.gather [spmem:s1], $0x200, $0x38;
	[tilespmem:$0xB40] =	vst v63  }
0xae: {  	_ =	swait.ge [sflag:s11], $0x200  }
0xaf: {  	[sflag:s11] =	ssyncset.done $0x0  }
0xb0: {  	[sflag:s11] =	ssyncadd.s32 $0xFFFFFE00  }
0xb1: {  	[tilespmem:s15], [sflag:$0x2] =	stream.linear.gather [spmem:s3], $0x200, $0x38;
	[tilespmem:$0xB40] =	vst v63  }
0xb2: {  	_ =	swait.ge [sflag:s11], $0x200  }
0xb3: {  	v17 =	vimm.s32 $0x0;
	v15 =	vimm.f32 $-Inf;
	v16 =	vimm.f32 $-Inf;
	[sflag:s11] =	ssyncset.done $0x0  }
0xb4: {  	s22 =	simm.s32 $0x0;
	s23 =	simm.s32 $0x1;
	v13 =	vimm.s32 $0x0;
	v14 =	vimm.s32 $0x0;
	vm2 =	vgt.s32 v17, $0x1F;
	[sflag:s11] =	ssyncadd.s32 $0xFFFFFE00  }
.LBB2_6:
0xb5: {  	p3 =	sne.s32 s23, $0x1F;
	v18 =	vsel vm2, $0x1F, v17  }
0xb6: {  	v18 =	vadd.s32 v11, v18;
	_ =	sdelay $0x4  }
0xb7: {  	v19 =	vld.idx.msk [tilespmem:v18+s14+$0x0], $0xffff;
	_ =	sdelay $0x5  }
0xb8: {  	v19 =	vsel vm2, $0xFF800000, v19  }
0xb9: {  	v20 =	vperm.xlane v19, v4;
	_ =	sdelay $0x1  }
0xba: {  	v20 =	vmax.f32 v19, v20  }
0xbb: {  	v21 =	vperm.xlane v20, v5;
	_ =	sdelay $0x1  }
0xbc: {  	v20 =	vmax.f32 v20, v21  }
0xbd: {  	v21 =	vperm.xlane v20, v6  }
0xbe: {  	v18 =	vld.idx.msk [tilespmem:v18+s15+$0x0], $0xffff  }
0xbf: {  	s24 =	sand.u32 $0xF, s22;
	vm3 =	vmmov vm0;
	v20 =	vmax.f32 v20, v21  }
0xc0: {  	p4 =	slt.u32 s22, $0x10;
	p5 =	sgt.u32 s22, $0xF;
	s22 =	smov.u32 s23;
	vm4 =	vmmov vm0;
	v22 =	vmov s24;
	v21 =	vperm.xlane v20, v7  }
0xc1: {  	vm3 =	vmneg @p4 vm3;
	vm4 =	vmneg @p5 vm4;
	vm2 =	veq.s32 v22, v2  }
0xc2: {  	vm3 =	vmand vm3, vm2;
	vm4 =	vmand vm4, vm2;
	v20 =	vmax.f32 v20, v21  }
0xc3: {  	vm2 =	veq.f32 v19, v20;
	v15 =	vsel vm3, v20, v15;
	v16 =	vsel vm4, v20, v16  }
0xc4: {  	v18 =	vnsel vm2, $0x40000000, v18  }
0xc5: {  	v19 =	vperm.xlane v18, v4;
	_ =	sdelay $0x1  }
0xc6: {  	vm5 =	vlt.s32 v18, v19  }
0xc7: {  	v19 =	vsel vm5, v18, v19  }
0xc8: {  	v20 =	vperm.xlane v19, v5;
	_ =	sdelay $0x1  }
0xc9: {  	vm5 =	vlt.s32 v19, v20  }
0xca: {  	v19 =	vsel vm5, v19, v20  }
0xcb: {  	v20 =	vperm.xlane v19, v6;
	_ =	sdelay $0x1  }
0xcc: {  	vm5 =	vlt.s32 v19, v20  }
0xcd: {  	v19 =	vsel vm5, v19, v20  }
0xce: {  	v20 =	vperm.xlane v19, v7;
	_ =	sdelay $0x1  }
0xcf: {  	vm5 =	vlt.s32 v19, v20  }
0xd0: {  	v19 =	vsel vm5, v19, v20  }
.Ltmp3:
0xd1: {  	vm5 =	veq.s32 v18, v19;
	v13 =	vsel vm3, v19, v13;
	v14 =	vsel vm4, v19, v14;
	(pc) =	sbr.rel @p3 .LBB2_6-.Ltmp3, $4  }
0xd2: {  	vm2 =	vmand vm2, vm5  }
0xd3: {  	v18 =	vsel vm2, $0x1, v12  }
0xd4: {  	v17 =	vadd.s32 v18, v17  }
0xd5: {  	s23 =	sadd.s32 $0x1, s23;
	vm2 =	vgt.s32 v17, $0x1F  }
0xd6: {  	v17 =	vsel vm2, $0x1F, v17  }
0xd7: {  	v17 =	vadd.s32 v11, v17;
	_ =	sdelay $0x4  }
0xd8: {  	v18 =	vld.idx.msk [tilespmem:v17+s14+$0x0], $0xffff;
	_ =	sdelay $0x4  }
0xd9: {  	v18 =	vsel vm2, $0xFF800000, v18  }
0xda: {  	v19 =	vperm.xlane v18, v4;
	_ =	sdelay $0x1  }
0xdb: {  	v19 =	vmax.f32 v18, v19  }
0xdc: {  	v20 =	vperm.xlane v19, v5;
	_ =	sdelay $0x1  }
0xdd: {  	v19 =	vmax.f32 v19, v20  }
0xde: {  	v20 =	vperm.xlane v19, v6;
	_ =	sdelay $0x1  }
0xdf: {  	v17 =	vld.idx.msk [tilespmem:v17+s15+$0x0], $0xffff;
	v19 =	vmax.f32 v19, v20  }
0xe0: {  	v20 =	vperm.xlane v19, v7;
	_ =	sdelay $0x1  }
0xe1: {  	v19 =	vmax.f32 v19, v20  }
0xe2: {  	vm2 =	veq.f32 v18, v19  }
0xe3: {  	v17 =	vnsel vm2, $0x40000000, v17  }
0xe4: {  	v60 =	vperm.xlane v17, v4;
	_ =	sdelay $0x1  }
0xe5: {  	vm2 =	vlt.s32 v17, v60  }
0xe6: {  	v17 =	vsel vm2, v17, v60  }
0xe7: {  	v18 =	vperm.xlane v17, v5;
	_ =	sdelay $0x1  }
0xe8: {  	vm2 =	vlt.s32 v17, v18  }
0xe9: {  	v17 =	vsel vm2, v17, v18  }
0xea: {  	s23 =	sand.u32 $0xF, s22;
	p3 =	slt.u32 s22, $0x10;
	vm3 =	vmmov vm0;
	v62 =	vperm.xlane v17, v6  }
0xeb: {  	p4 =	sgt.u32 s22, $0xF;
	vm4 =	vmmov vm0;
	v61 =	vmov s23;
	vm3 =	vmneg @p3 vm3  }
0xec: {  	vm4 =	vmneg @p4 vm4;
	vm2 =	veq.s32 v61, v2;
	vm5 =	vlt.s32 v17, v62  }
0xed: {  	vm3 =	vmand vm3, vm2;
	vm2 =	vmand vm4, vm2;
	v17 =	vsel vm5, v17, v62  }
0xee: {  	v15 =	vsel vm3, v19, v15;
	v16 =	vsel vm2, v19, v16;
	v63 =	vperm.xlane v17, v7  }
0xef: {  	v15 =	vpsel p2, v16, v15  }
0xf0: {  	s22 =	simm.s32 @!p0 $0x0;
	s23 =	simm.s32 @!p0 $0x740;
	[tilespmem:$0x740] =	vst @!p0 v15;
	vm15 =	vlt.s32 v17, v63  }
0xf1: {  	[hbm4b:s8+s22] =	stream.linear.scatter @!p0 [tilespmem:s23], [sflag:$0x2], $0x10, $0x38;
	v15 =	vsel vm15, v17, v63;
	[tilespmem:$0xB40] =	vst v63  }
0xf2: {  	s22 =	simm.s32 @!p0 $0x2;
	v13 =	vsel vm3, v15, v13;
	v14 =	vsel vm2, v15, v14  }
0xf3: {  	_ =	swait.ge @!p0 [sflag:s22], $0x10;
	v13 =	vpsel p1, v13, v14  }
0xf4: {  	[sflag:s22] =	ssyncset.done @!p0 $0x0;
	v13 =	vperm.xlane v13, v1  }
0xf5: {  	[sflag:s22] =	ssyncadd.s32 @!p0 $0xFFFFFFF0  }
0xf6: {  	[tilespmem:v12+s16+$0x0] =	vst.idx.msk $0x1, v13  }
0xf7: {  	v13 =	vld.msk [tilespmem:$0x7C0], $0x1;
	_ =	sdelay $0x4  }
0xf8: {  	v14 =	vshrl.u32 v13, $0x3  }
0xf9: {  	v14 =	vmul.u32 $0x30, v14  }
0xfa: {  	v13 =	vand.u32 $0x7, v13  }
0xfb: {  	v13 =	vor.u32 v13, v14  }
0xfc: {  	v14 =	vmul.u32 $0x8, v2;
	v13 =	vperm.xlane v13, v12;
	_ =	sdelay $0x1  }
0xfd: {  	v13 =	vadd.s32 v14, v13;
	_ =	sdelay $0x4  }
0xfe: {  	[tilespmem:s17], [sflag:$0x1] =	stream.indirect_vreg.gather [hbm4b:s0+s4], $0x80, v13, vm1, $0xb8;
	[tilespmem:$0xB40] =	vst v63  }
0xff: {  	s21 =	sadd.s32 $0x1, s21;
	_ =	swait.ge [sflag:s18], $0x300  }
0x100: {  	p3 =	sne.s32 s21, s10;
	[sflag:s18] =	ssyncset.done $0x0  }
.Ltmp4:
0x101: {  	[sflag:s18] =	ssyncadd.s32 $0xFFFFFD00;
	(pc) =	sbr.rel @p3 .LBB2_1-.Ltmp4, $4  }
0x102: {  	[hbm4b:s9+s19] =	stream.strided.scatter [tilespmem:s17], [sflag:$0x2], $0x300, s20, s19, $0x38;
	[tilespmem:$0xB40] =	vst v63  }
0x103: {  	_ =	swait.ge [sflag:s11], $0x300  }
0x104: {  	[sflag:s11] =	ssyncset.done $0x0  }
0x105: {  	[sflag:s11] =	ssyncadd.s32 $0xFFFFFD00  }
0x106: {  	_ =	sfence.sel $0x180000  }
0x107: {  	[bflag:$0x0] =	sbarrier.arrive $0xFFFF  }
0x108: {  	_ =	strace $0x90000047  }
0x109: {  	s0 =	sadd.s32 @!p0 $0x100000, s2;
	[bflag:$0x2] =	sbarrier.arrive $0xFFFF  }
0x10a: {  	[sflag:s0] =	ssyncadd.tile.s32 @!p0 $0x1;
	_ =	shalt  }
.Lfunc_end2:
_tile_overlayer_lowered:
.L_overlay_start_2:
0x10b: {  	(tag) =	ssettag $0x2  }
0x10c: {  	s0 =	rddreg [dreg:$0x0];
	s2 =	stileid.u32  }
0x10d: {  	s1 =	rddreg [dreg:$0x1];
	p0 =	sne.s32 s2, $0x0  }
0x10e: {  	s3 =	rddreg [dreg:$0x2];
	[bflag:$0x3] =	sbarrier.arrive $0xFFFF;
	s2 =	simm.s32 @!p0 $0x1C02  }
0x10f: {  	[timem:s3], [sflag:s2] =	dma.local @!p0 [hbm:s0], s1  }
0x110: {  	s0 =	simm.s32 @!p0 $0x2  }
0x111: {  	_ =	swait.ge @!p0 [sflag:s0], s1  }
0x112: {  	s1 =	ssub.s32 @!p0 $0x0, s1;
	[sflag:s0] =	ssyncset.done @!p0 $0x0  }
0x113: {  	[sflag:s0] =	ssyncadd.s32 @!p0 s1  }
0x114: {  	[bflag:$0x3] =	sbarrier.arrive $0xFFFF  }
0x115: {  	_ =	shalt  }

</sc_bundles>
